<compile_context>
chip_gen: v7x
topology: tpu7x:2x2x1
jax: 0.10.2.dev20260603
libtpu: 0.0.44.dev20260713+nightly
codegen_flags: <defaults>
</compile_context>

<pallas_src>
import jax
import jax.numpy as jnp
from jax import lax
from jax.experimental import pallas as pl
from jax.experimental.pallas import tpu as pltpu
from jax.experimental.pallas import tpu_sc as plsc

NC = 2
NS = 16
NW = NC * NS
B = 16384
D = 16
BPW = B // NW


def _gmf_body(u_idx_hbm, i_idx_hbm, ut_hbm, it_hbm, out_hbm,
              idx_u_v, idx_i_v, rows_u_v, rows_i_v, sem_u, sem_i):
    wid = lax.axis_index("s") * NC + lax.axis_index("c")
    base = wid * BPW

    pltpu.sync_copy(u_idx_hbm.at[pl.ds(base, BPW)], idx_u_v)
    pltpu.sync_copy(i_idx_hbm.at[pl.ds(base, BPW)], idx_i_v)

    @pl.loop(0, BPW // D)
    def _(c):
        r0 = c * D
        iu_vec = idx_u_v[pl.ds(r0, D)]
        ii_vec = idx_i_v[pl.ds(r0, D)]
        for j in range(D):
            ou = pl.multiple_of(iu_vec[j] * D, D)
            oi = pl.multiple_of(ii_vec[j] * D, D)
            od = pl.multiple_of((r0 + j) * D, D)
            pltpu.async_copy(ut_hbm.at[pl.ds(ou, D)],
                             rows_u_v.at[pl.ds(od, D)], sem_u)
            pltpu.async_copy(it_hbm.at[pl.ds(oi, D)],
                             rows_i_v.at[pl.ds(od, D)], sem_i)

    pltpu.make_async_copy(ut_hbm.at[pl.ds(0, BPW * D)], rows_u_v, sem_u).wait()
    pltpu.make_async_copy(it_hbm.at[pl.ds(0, BPW * D)], rows_i_v, sem_i).wait()

    @pl.loop(0, BPW)
    def _(j):
        s = pl.ds(pl.multiple_of(j * D, D), D)
        rows_u_v[s] = rows_u_v[s] * rows_i_v[s]

    ob = pl.multiple_of(base * D, BPW * D)
    pltpu.sync_copy(rows_u_v, out_hbm.at[pl.ds(ob, BPW * D)])


def kernel(inputs, user_table, item_table):
    idx = inputs.astype(jnp.int32)
    u_idx = idx[:, 0]
    i_idx = idx[:, 1]

    run = pl.kernel(
        _gmf_body,
        out_type=jax.ShapeDtypeStruct((B * D,), jnp.float32),
        mesh=plsc.VectorSubcoreMesh(core_axis_name="c", subcore_axis_name="s"),
        scratch_types=[
            pltpu.VMEM((BPW,), jnp.int32),
            pltpu.VMEM((BPW,), jnp.int32),
            pltpu.VMEM((BPW * D,), jnp.float32),
            pltpu.VMEM((BPW * D,), jnp.float32),
            pltpu.SemaphoreType.DMA,
            pltpu.SemaphoreType.DMA,
        ],
    )
    out = run(u_idx, i_idx, user_table.reshape(-1), item_table.reshape(-1))
    return out.reshape(B, D)

# --- scband reference (transcript-rebuilt; emitter-appended) ---
"""Pipeline reference for scband-gmflayer-87866440942010 (READ-ONLY COPY).

The authoritative reference and input builder live on the scoring server;
editing this copy changes nothing except your own understanding.
"""

import jax, jax.numpy as jnp
import numpy as np

N_USER = 1000000
N_ITEMS = 1000000
N_FACTORS = 16
BATCH = 16384

def setup_inputs(seed: int = 0) -> dict:
    key = jax.random.key(seed)
    k_idx, k_u, k_i = jax.random.split(key, 3)
    inputs = jax.random.randint(k_idx, (BATCH, 2), 0, N_USER, dtype=jnp.int64) if jax.config.read('jax_enable_x64') else jax.random.randint(k_idx, (BATCH, 2), 0, N_USER, dtype=jnp.int32)
    user_table = jax.random.normal(k_u, (N_USER, N_FACTORS), dtype=jnp.float32) * 0.05
    item_table = jax.random.normal(k_i, (N_ITEMS, N_FACTORS), dtype=jnp.float32) * 0.05
    return {"inputs": inputs, "user_table": user_table, "item_table": item_table}

def reference(inputs, user_table, item_table):
    user_input = inputs[:, 0]
    item_input = inputs[:, 1]
    user_latent = jnp.take(user_table, user_input, axis=0)
    item_latent = jnp.take(item_table, item_input, axis=0)
    element_product = user_latent * item_latent
    return element_product

if __name__ == "__main__":
    import jax
    _d = setup_inputs()
    print(jax.jit(kernel)(*tuple(_d.values())))

</pallas_src>

<mosaic_0001>
#map = affine_map<(d0, d1) -> (0)>
module attributes {stable_mosaic.version = 14 : i64} {
  func.func @_gmf_body(%arg0: i32, %arg1: i32, %arg2: memref<16384xi32, #tpu.memory_space<hbm>>, %arg3: memref<16384xi32, #tpu.memory_space<hbm>>, %arg4: memref<16000000xf32, #tpu.memory_space<hbm>>, %arg5: memref<16000000xf32, #tpu.memory_space<hbm>>, %arg6: memref<262144xf32, #tpu.memory_space<hbm>>, %arg7: memref<512xi32, #tpu.memory_space<vmem>>, %arg8: memref<512xi32, #tpu.memory_space<vmem>>, %arg9: memref<8192xf32, #tpu.memory_space<vmem>>, %arg10: memref<8192xf32, #tpu.memory_space<vmem>>, %arg11: memref<!tpu.dma_semaphore, #tpu.memory_space<semaphore_mem>>, %arg12: memref<!tpu.dma_semaphore, #tpu.memory_space<semaphore_mem>>) attributes {dimension_semantics = [#tpu.dimension_semantics<core_parallel>, #tpu.dimension_semantics<subcore_parallel>], iteration_bounds = array<i64: 2, 16>, scalar_prefetch = 0 : i64, scratch_operands = 6 : i64, tpu.core_type = #tpu.core_type<sc_vector_subcore>, window_params = [{transform_indices = #map}, {transform_indices = #map}, {transform_indices = #map}, {transform_indices = #map}, {transform_indices = #map}]} {
    %mul3A = arith.constant 2 : i32
    %mul3A_0 = arith.muli %arg1, %mul3A : i32
    %add3A = arith.addi %mul3A_0, %arg0 : i32
    %mul3A_1 = arith.constant 512 : i32
    %mul3A_2 = arith.muli %add3A, %mul3A_1 : i32
    "tpu.region"() ({
      %run_scoped3A = tpu.sem_alloc : memref<!tpu.dma_semaphore, #tpu.memory_space<semaphore_mem>>
      %dma_start3A = tpu.memref_slice %arg2[%mul3A_2] : memref<16384xi32, #tpu.memory_space<hbm>> -> memref<512xi32, #tpu.memory_space<hbm>>
      %dma_start3A_21 = tpu.memref_slice %arg2[%mul3A_2] : memref<16384xi32, #tpu.memory_space<hbm>> -> memref<512xi32, #tpu.memory_space<hbm>>
      tpu.enqueue_dma source(%dma_start3A_21 : memref<512xi32, #tpu.memory_space<hbm>>) target(%arg7 : memref<512xi32, #tpu.memory_space<vmem>>) target_semaphore(%run_scoped3A : memref<!tpu.dma_semaphore, #tpu.memory_space<semaphore_mem>>)
      %dma_wait3A_22 = tpu.memref_slice %arg2[%mul3A_2] : memref<16384xi32, #tpu.memory_space<hbm>> -> memref<512xi32, #tpu.memory_space<hbm>>
      %dma_wait3A_23 = tpu.memref_slice %arg2[%mul3A_2] : memref<16384xi32, #tpu.memory_space<hbm>> -> memref<512xi32, #tpu.memory_space<hbm>>
      tpu.wait_dma2 semaphore(%run_scoped3A : memref<!tpu.dma_semaphore, #tpu.memory_space<semaphore_mem>>) src(%dma_wait3A_23 : memref<512xi32, #tpu.memory_space<hbm>>) dst(%arg7 : memref<512xi32, #tpu.memory_space<vmem>>)
      tpu.yield
    }) : () -> ()
    "tpu.region"() ({
      %run_scoped3A = tpu.sem_alloc : memref<!tpu.dma_semaphore, #tpu.memory_space<semaphore_mem>>
      %dma_start3A = tpu.memref_slice %arg3[%mul3A_2] : memref<16384xi32, #tpu.memory_space<hbm>> -> memref<512xi32, #tpu.memory_space<hbm>>
      %dma_start3A_21 = tpu.memref_slice %arg3[%mul3A_2] : memref<16384xi32, #tpu.memory_space<hbm>> -> memref<512xi32, #tpu.memory_space<hbm>>
      tpu.enqueue_dma source(%dma_start3A_21 : memref<512xi32, #tpu.memory_space<hbm>>) target(%arg8 : memref<512xi32, #tpu.memory_space<vmem>>) target_semaphore(%run_scoped3A : memref<!tpu.dma_semaphore, #tpu.memory_space<semaphore_mem>>)
      %dma_wait3A_22 = tpu.memref_slice %arg3[%mul3A_2] : memref<16384xi32, #tpu.memory_space<hbm>> -> memref<512xi32, #tpu.memory_space<hbm>>
      %dma_wait3A_23 = tpu.memref_slice %arg3[%mul3A_2] : memref<16384xi32, #tpu.memory_space<hbm>> -> memref<512xi32, #tpu.memory_space<hbm>>
      tpu.wait_dma2 semaphore(%run_scoped3A : memref<!tpu.dma_semaphore, #tpu.memory_space<semaphore_mem>>) src(%dma_wait3A_23 : memref<512xi32, #tpu.memory_space<hbm>>) dst(%arg8 : memref<512xi32, #tpu.memory_space<vmem>>)
      tpu.yield
    }) : () -> ()
    %scan3A = arith.constant 0 : i32
    %scan3A_3 = arith.constant 32 : i32
    %scan3A_4 = arith.addi %scan3A, %scan3A_3 : i32
    %scan3A_5 = arith.constant 1 : i32
    scf.for %scan3A_21 = %scan3A to %scan3A_4 step %scan3A_5  : i32 {
      %mul3A_22 = arith.constant 1 : i32
      %mul3A_23 = arith.muli %scan3A_21, %mul3A_22 : i32
      %add3A_24 = arith.constant 0 : i32
      %add3A_25 = arith.addi %add3A_24, %mul3A_23 : i32
      %mul3A_26 = arith.constant 16 : i32
      %mul3A_27 = arith.muli %add3A_25, %mul3A_26 : i32
      %get3A = arith.index_cast %mul3A_27 : i32 to index
      %get3A_28 = tpu.vector_load %arg7[%get3A] {strides = array<i32>} : memref<512xi32, #tpu.memory_space<vmem>>, vector<16xi32>,
      %get3A_29 = vector.shape_cast %get3A_28 : vector<16xi32> to vector<16xi32>
      %get3A_30 = arith.index_cast %mul3A_27 : i32 to index
      %get3A_31 = tpu.vector_load %arg8[%get3A_30] {strides = array<i32>} : memref<512xi32, #tpu.memory_space<vmem>>, vector<16xi32>,
      %get3A_32 = vector.shape_cast %get3A_31 : vector<16xi32> to vector<16xi32>
      %slice3A = vector.extract_strided_slice %get3A_29 {offsets = [0], sizes = [1], strides = [1]} : vector<16xi32> to vector<1xi32>
      %squeeze3A = vector.extract %slice3A[0] : i32 from vector<1xi32>
      %mul3A_33 = arith.constant 16 : i32
      %mul3A_34 = arith.muli %squeeze3A, %mul3A_33 : i32
      %multiple_of3A_35 = tpu.assume_multiple %mul3A_34, 16 : i32
      %slice3A_36 = vector.extract_strided_slice %get3A_32 {offsets = [0], sizes = [1], strides = [1]} : vector<16xi32> to vector<1xi32>
      %squeeze3A_37 = vector.extract %slice3A_36[0] : i32 from vector<1xi32>
      %mul3A_38 = arith.constant 16 : i32
      %mul3A_39 = arith.muli %squeeze3A_37, %mul3A_38 : i32
      %multiple_of3A_40 = tpu.assume_multiple %mul3A_39, 16 : i32
      %add3A_41 = arith.constant 0 : i32
      %add3A_42 = arith.addi %mul3A_27, %add3A_41 : i32
      %mul3A_43 = arith.constant 16 : i32
      %mul3A_44 = arith.muli %add3A_42, %mul3A_43 : i32
      %multiple_of3A_45 = tpu.assume_multiple %mul3A_44, 16 : i32
      %dma_start3A = tpu.memref_slice %arg9[%multiple_of3A_45] : memref<8192xf32, #tpu.memory_space<vmem>> -> memref<16xf32, #tpu.memory_space<vmem>>
      %dma_start3A_46 = tpu.memref_slice %arg4[%multiple_of3A_35] : memref<16000000xf32, #tpu.memory_space<hbm>> -> memref<16xf32, #tpu.memory_space<hbm>>
      %dma_start3A_47 = tpu.memref_slice %arg9[%multiple_of3A_45] : memref<8192xf32, #tpu.memory_space<vmem>> -> memref<16xf32, #tpu.memory_space<vmem>>
      %dma_start3A_48 = tpu.memref_slice %arg4[%multiple_of3A_35] : memref<16000000xf32, #tpu.memory_space<hbm>> -> memref<16xf32, #tpu.memory_space<hbm>>
      tpu.enqueue_dma source(%dma_start3A_48 : memref<16xf32, #tpu.memory_space<hbm>>) target(%dma_start3A_47 : memref<16xf32, #tpu.memory_space<vmem>>) target_semaphore(%arg11 : memref<!tpu.dma_semaphore, #tpu.memory_space<semaphore_mem>>)
      %dma_start3A_49 = tpu.memref_slice %arg10[%multiple_of3A_45] : memref<8192xf32, #tpu.memory_space<vmem>> -> memref<16xf32, #tpu.memory_space<vmem>>
      %dma_start3A_50 = tpu.memref_slice %arg5[%multiple_of3A_40] : memref<16000000xf32, #tpu.memory_space<hbm>> -> memref<16xf32, #tpu.memory_space<hbm>>
      %dma_start3A_51 = tpu.memref_slice %arg10[%multiple_of3A_45] : memref<8192xf32, #tpu.memory_space<vmem>> -> memref<16xf32, #tpu.memory_space<vmem>>
      %dma_start3A_52 = tpu.memref_slice %arg5[%multiple_of3A_40] : memref<16000000xf32, #tpu.memory_space<hbm>> -> memref<16xf32, #tpu.memory_space<hbm>>
      tpu.enqueue_dma source(%dma_start3A_52 : memref<16xf32, #tpu.memory_space<hbm>>) target(%dma_start3A_51 : memref<16xf32, #tpu.memory_space<vmem>>) target_semaphore(%arg12 : memref<!tpu.dma_semaphore, #tpu.memory_space<semaphore_mem>>)
      %slice3A_53 = vector.extract_strided_slice %get3A_29 {offsets = [1], sizes = [1], strides = [1]} : vector<16xi32> to vector<1xi32>
      %squeeze3A_54 = vector.extract %slice3A_53[0] : i32 from vector<1xi32>
      %mul3A_55 = arith.constant 16 : i32
      %mul3A_56 = arith.muli %squeeze3A_54, %mul3A_55 : i32
      %multiple_of3A_57 = tpu.assume_multiple %mul3A_56, 16 : i32
      %slice3A_58 = vector.extract_strided_slice %get3A_32 {offsets = [1], sizes = [1], strides = [1]} : vector<16xi32> to vector<1xi32>
      %squeeze3A_59 = vector.extract %slice3A_58[0] : i32 from vector<1xi32>
      %mul3A_60 = arith.constant 16 : i32
      %mul3A_61 = arith.muli %squeeze3A_59, %mul3A_60 : i32
      %multiple_of3A_62 = tpu.assume_multiple %mul3A_61, 16 : i32
      %add3A_63 = arith.constant 1 : i32
      %add3A_64 = arith.addi %mul3A_27, %add3A_63 : i32
      %mul3A_65 = arith.constant 16 : i32
      %mul3A_66 = arith.muli %add3A_64, %mul3A_65 : i32
      %multiple_of3A_67 = tpu.assume_multiple %mul3A_66, 16 : i32
      %dma_start3A_68 = tpu.memref_slice %arg9[%multiple_of3A_67] : memref<8192xf32, #tpu.memory_space<vmem>> -> memref<16xf32, #tpu.memory_space<vmem>>
      %dma_start3A_69 = tpu.memref_slice %arg4[%multiple_of3A_57] : memref<16000000xf32, #tpu.memory_space<hbm>> -> memref<16xf32, #tpu.memory_space<hbm>>
      %dma_start3A_70 = tpu.memref_slice %arg9[%multiple_of3A_67] : memref<8192xf32, #tpu.memory_space<vmem>> -> memref<16xf32, #tpu.memory_space<vmem>>
      %dma_start3A_71 = tpu.memref_slice %arg4[%multiple_of3A_57] : memref<16000000xf32, #tpu.memory_space<hbm>> -> memref<16xf32, #tpu.memory_space<hbm>>
      tpu.enqueue_dma source(%dma_start3A_71 : memref<16xf32, #tpu.memory_space<hbm>>) target(%dma_start3A_70 : memref<16xf32, #tpu.memory_space<vmem>>) target_semaphore(%arg11 : memref<!tpu.dma_semaphore, #tpu.memory_space<semaphore_mem>>)
      %dma_start3A_72 = tpu.memref_slice %arg10[%multiple_of3A_67] : memref<8192xf32, #tpu.memory_space<vmem>> -> memref<16xf32, #tpu.memory_space<vmem>>
      %dma_start3A_73 = tpu.memref_slice %arg5[%multiple_of3A_62] : memref<16000000xf32, #tpu.memory_space<hbm>> -> memref<16xf32, #tpu.memory_space<hbm>>
      %dma_start3A_74 = tpu.memref_slice %arg10[%multiple_of3A_67] : memref<8192xf32, #tpu.memory_space<vmem>> -> memref<16xf32, #tpu.memory_space<vmem>>
      %dma_start3A_75 = tpu.memref_slice %arg5[%multiple_of3A_62] : memref<16000000xf32, #tpu.memory_space<hbm>> -> memref<16xf32, #tpu.memory_space<hbm>>
      tpu.enqueue_dma source(%dma_start3A_75 : memref<16xf32, #tpu.memory_space<hbm>>) target(%dma_start3A_74 : memref<16xf32, #tpu.memory_space<vmem>>) target_semaphore(%arg12 : memref<!tpu.dma_semaphore, #tpu.memory_space<semaphore_mem>>)
      %slice3A_76 = vector.extract_strided_slice %get3A_29 {offsets = [2], sizes = [1], strides = [1]} : vector<16xi32> to vector<1xi32>
      %squeeze3A_77 = vector.extract %slice3A_76[0] : i32 from vector<1xi32>
      %mul3A_78 = arith.constant 16 : i32
      %mul3A_79 = arith.muli %squeeze3A_77, %mul3A_78 : i32
      %multiple_of3A_80 = tpu.assume_multiple %mul3A_79, 16 : i32
      %slice3A_81 = vector.extract_strided_slice %get3A_32 {offsets = [2], sizes = [1], strides = [1]} : vector<16xi32> to vector<1xi32>
      %squeeze3A_82 = vector.extract %slice3A_81[0] : i32 from vector<1xi32>
      %mul3A_83 = arith.constant 16 : i32
      %mul3A_84 = arith.muli %squeeze3A_82, %mul3A_83 : i32
      %multiple_of3A_85 = tpu.assume_multiple %mul3A_84, 16 : i32
      %add3A_86 = arith.constant 2 : i32
      %add3A_87 = arith.addi %mul3A_27, %add3A_86 : i32
      %mul3A_88 = arith.constant 16 : i32
      %mul3A_89 = arith.muli %add3A_87, %mul3A_88 : i32
      %multiple_of3A_90 = tpu.assume_multiple %mul3A_89, 16 : i32
      %dma_start3A_91 = tpu.memref_slice %arg9[%multiple_of3A_90] : memref<8192xf32, #tpu.memory_space<vmem>> -> memref<16xf32, #tpu.memory_space<vmem>>
      %dma_start3A_92 = tpu.memref_slice %arg4[%multiple_of3A_80] : memref<16000000xf32, #tpu.memory_space<hbm>> -> memref<16xf32, #tpu.memory_space<hbm>>
      %dma_start3A_93 = tpu.memref_slice %arg9[%multiple_of3A_90] : memref<8192xf32, #tpu.memory_space<vmem>> -> memref<16xf32, #tpu.memory_space<vmem>>
      %dma_start3A_94 = tpu.memref_slice %arg4[%multiple_of3A_80] : memref<16000000xf32, #tpu.memory_space<hbm>> -> memref<16xf32, #tpu.memory_space<hbm>>
      tpu.enqueue_dma source(%dma_start3A_94 : memref<16xf32, #tpu.memory_space<hbm>>) target(%dma_start3A_93 : memref<16xf32, #tpu.memory_space<vmem>>) target_semaphore(%arg11 : memref<!tpu.dma_semaphore, #tpu.memory_space<semaphore_mem>>)
      %dma_start3A_95 = tpu.memref_slice %arg10[%multiple_of3A_90] : memref<8192xf32, #tpu.memory_space<vmem>> -> memref<16xf32, #tpu.memory_space<vmem>>
      %dma_start3A_96 = tpu.memref_slice %arg5[%multiple_of3A_85] : memref<16000000xf32, #tpu.memory_space<hbm>> -> memref<16xf32, #tpu.memory_space<hbm>>
      %dma_start3A_97 = tpu.memref_slice %arg10[%multiple_of3A_90] : memref<8192xf32, #tpu.memory_space<vmem>> -> memref<16xf32, #tpu.memory_space<vmem>>
      %dma_start3A_98 = tpu.memref_slice %arg5[%multiple_of3A_85] : memref<16000000xf32, #tpu.memory_space<hbm>> -> memref<16xf32, #tpu.memory_space<hbm>>
      tpu.enqueue_dma source(%dma_start3A_98 : memref<16xf32, #tpu.memory_space<hbm>>) target(%dma_start3A_97 : memref<16xf32, #tpu.memory_space<vmem>>) target_semaphore(%arg12 : memref<!tpu.dma_semaphore, #tpu.memory_space<semaphore_mem>>)
      %slice3A_99 = vector.extract_strided_slice %get3A_29 {offsets = [3], sizes = [1], strides = [1]} : vector<16xi32> to vector<1xi32>
      %squeeze3A_100 = vector.extract %slice3A_99[0] : i32 from vector<1xi32>
      %mul3A_101 = arith.constant 16 : i32
      %mul3A_102 = arith.muli %squeeze3A_100, %mul3A_101 : i32
      %multiple_of3A_103 = tpu.assume_multiple %mul3A_102, 16 : i32
      %slice3A_104 = vector.extract_strided_slice %get3A_32 {offsets = [3], sizes = [1], strides = [1]} : vector<16xi32> to vector<1xi32>
      %squeeze3A_105 = vector.extract %slice3A_104[0] : i32 from vector<1xi32>
      %mul3A_106 = arith.constant 16 : i32
      %mul3A_107 = arith.muli %squeeze3A_105, %mul3A_106 : i32
      %multiple_of3A_108 = tpu.assume_multiple %mul3A_107, 16 : i32
      %add3A_109 = arith.constant 3 : i32
      %add3A_110 = arith.addi %mul3A_27, %add3A_109 : i32
      %mul3A_111 = arith.constant 16 : i32
      %mul3A_112 = arith.muli %add3A_110, %mul3A_111 : i32
      %multiple_of3A_113 = tpu.assume_multiple %mul3A_112, 16 : i32
      %dma_start3A_114 = tpu.memref_slice %arg9[%multiple_of3A_113] : memref<8192xf32, #tpu.memory_space<vmem>> -> memref<16xf32, #tpu.memory_space<vmem>>
      %dma_start3A_115 = tpu.memref_slice %arg4[%multiple_of3A_103] : memref<16000000xf32, #tpu.memory_space<hbm>> -> memref<16xf32, #tpu.memory_space<hbm>>
      %dma_start3A_116 = tpu.memref_slice %arg9[%multiple_of3A_113] : memref<8192xf32, #tpu.memory_space<vmem>> -> memref<16xf32, #tpu.memory_space<vmem>>
      %dma_start3A_117 = tpu.memref_slice %arg4[%multiple_of3A_103] : memref<16000000xf32, #tpu.memory_space<hbm>> -> memref<16xf32, #tpu.memory_space<hbm>>
      tpu.enqueue_dma source(%dma_start3A_117 : memref<16xf32, #tpu.memory_space<hbm>>) target(%dma_start3A_116 : memref<16xf32, #tpu.memory_space<vmem>>) target_semaphore(%arg11 : memref<!tpu.dma_semaphore, #tpu.memory_space<semaphore_mem>>)
      %dma_start3A_118 = tpu.memref_slice %arg10[%multiple_of3A_113] : memref<8192xf32, #tpu.memory_space<vmem>> -> memref<16xf32, #tpu.memory_space<vmem>>
      %dma_start3A_119 = tpu.memref_slice %arg5[%multiple_of3A_108] : memref<16000000xf32, #tpu.memory_space<hbm>> -> memref<16xf32, #tpu.memory_space<hbm>>
      %dma_start3A_120 = tpu.memref_slice %arg10[%multiple_of3A_113] : memref<8192xf32, #tpu.memory_space<vmem>> -> memref<16xf32, #tpu.memory_space<vmem>>
      %dma_start3A_121 = tpu.memref_slice %arg5[%multiple_of3A_108] : memref<16000000xf32, #tpu.memory_space<hbm>> -> memref<16xf32, #tpu.memory_space<hbm>>
      tpu.enqueue_dma source(%dma_start3A_121 : memref<16xf32, #tpu.memory_space<hbm>>) target(%dma_start3A_120 : memref<16xf32, #tpu.memory_space<vmem>>) target_semaphore(%arg12 : memref<!tpu.dma_semaphore, #tpu.memory_space<semaphore_mem>>)
      %slice3A_122 = vector.extract_strided_slice %get3A_29 {offsets = [4], sizes = [1], strides = [1]} : vector<16xi32> to vector<1xi32>
      %squeeze3A_123 = vector.extract %slice3A_122[0] : i32 from vector<1xi32>
      %mul3A_124 = arith.constant 16 : i32
      %mul3A_125 = arith.muli %squeeze3A_123, %mul3A_124 : i32
      %multiple_of3A_126 = tpu.assume_multiple %mul3A_125, 16 : i32
      %slice3A_127 = vector.extract_strided_slice %get3A_32 {offsets = [4], sizes = [1], strides = [1]} : vector<16xi32> to vector<1xi32>
      %squeeze3A_128 = vector.extract %slice3A_127[0] : i32 from vector<1xi32>
      %mul3A_129 = arith.constant 16 : i32
      %mul3A_130 = arith.muli %squeeze3A_128, %mul3A_129 : i32
      %multiple_of3A_131 = tpu.assume_multiple %mul3A_130, 16 : i32
      %add3A_132 = arith.constant 4 : i32
      %add3A_133 = arith.addi %mul3A_27, %add3A_132 : i32
      %mul3A_134 = arith.constant 16 : i32
      %mul3A_135 = arith.muli %add3A_133, %mul3A_134 : i32
      %multiple_of3A_136 = tpu.assume_multiple %mul3A_135, 16 : i32
      %dma_start3A_137 = tpu.memref_slice %arg9[%multiple_of3A_136] : memref<8192xf32, #tpu.memory_space<vmem>> -> memref<16xf32, #tpu.memory_space<vmem>>
      %dma_start3A_138 = tpu.memref_slice %arg4[%multiple_of3A_126] : memref<16000000xf32, #tpu.memory_space<hbm>> -> memref<16xf32, #tpu.memory_space<hbm>>
      %dma_start3A_139 = tpu.memref_slice %arg9[%multiple_of3A_136] : memref<8192xf32, #tpu.memory_space<vmem>> -> memref<16xf32, #tpu.memory_space<vmem>>
      %dma_start3A_140 = tpu.memref_slice %arg4[%multiple_of3A_126] : memref<16000000xf32, #tpu.memory_space<hbm>> -> memref<16xf32, #tpu.memory_space<hbm>>
      tpu.enqueue_dma source(%dma_start3A_140 : memref<16xf32, #tpu.memory_space<hbm>>) target(%dma_start3A_139 : memref<16xf32, #tpu.memory_space<vmem>>) target_semaphore(%arg11 : memref<!tpu.dma_semaphore, #tpu.memory_space<semaphore_mem>>)
      %dma_start3A_141 = tpu.memref_slice %arg10[%multiple_of3A_136] : memref<8192xf32, #tpu.memory_space<vmem>> -> memref<16xf32, #tpu.memory_space<vmem>>
      %dma_start3A_142 = tpu.memref_slice %arg5[%multiple_of3A_131] : memref<16000000xf32, #tpu.memory_space<hbm>> -> memref<16xf32, #tpu.memory_space<hbm>>
      %dma_start3A_143 = tpu.memref_slice %arg10[%multiple_of3A_136] : memref<8192xf32, #tpu.memory_space<vmem>> -> memref<16xf32, #tpu.memory_space<vmem>>
      %dma_start3A_144 = tpu.memref_slice %arg5[%multiple_of3A_131] : memref<16000000xf32, #tpu.memory_space<hbm>> -> memref<16xf32, #tpu.memory_space<hbm>>
      tpu.enqueue_dma source(%dma_start3A_144 : memref<16xf32, #tpu.memory_space<hbm>>) target(%dma_start3A_143 : memref<16xf32, #tpu.memory_space<vmem>>) target_semaphore(%arg12 : memref<!tpu.dma_semaphore, #tpu.memory_space<semaphore_mem>>)
      %slice3A_145 = vector.extract_strided_slice %get3A_29 {offsets = [5], sizes = [1], strides = [1]} : vector<16xi32> to vector<1xi32>
      %squeeze3A_146 = vector.extract %slice3A_145[0] : i32 from vector<1xi32>
      %mul3A_147 = arith.constant 16 : i32
      %mul3A_148 = arith.muli %squeeze3A_146, %mul3A_147 : i32
      %multiple_of3A_149 = tpu.assume_multiple %mul3A_148, 16 : i32
      %slice3A_150 = vector.extract_strided_slice %get3A_32 {offsets = [5], sizes = [1], strides = [1]} : vector<16xi32> to vector<1xi32>
      %squeeze3A_151 = vector.extract %slice3A_150[0] : i32 from vector<1xi32>
      %mul3A_152 = arith.constant 16 : i32
      %mul3A_153 = arith.muli %squeeze3A_151, %mul3A_152 : i32
      %multiple_of3A_154 = tpu.assume_multiple %mul3A_153, 16 : i32
      %add3A_155 = arith.constant 5 : i32
      %add3A_156 = arith.addi %mul3A_27, %add3A_155 : i32
      %mul3A_157 = arith.constant 16 : i32
      %mul3A_158 = arith.muli %add3A_156, %mul3A_157 : i32
      %multiple_of3A_159 = tpu.assume_multiple %mul3A_158, 16 : i32
      %dma_start3A_160 = tpu.memref_slice %arg9[%multiple_of3A_159] : memref<8192xf32, #tpu.memory_space<vmem>> -> memref<16xf32, #tpu.memory_space<vmem>>
      %dma_start3A_161 = tpu.memref_slice %arg4[%multiple_of3A_149] : memref<16000000xf32, #tpu.memory_space<hbm>> -> memref<16xf32, #tpu.memory_space<hbm>>
      %dma_start3A_162 = tpu.memref_slice %arg9[%multiple_of3A_159] : memref<8192xf32, #tpu.memory_space<vmem>> -> memref<16xf32, #tpu.memory_space<vmem>>
      %dma_start3A_163 = tpu.memref_slice %arg4[%multiple_of3A_149] : memref<16000000xf32, #tpu.memory_space<hbm>> -> memref<16xf32, #tpu.memory_space<hbm>>
      tpu.enqueue_dma source(%dma_start3A_163 : memref<16xf32, #tpu.memory_space<hbm>>) target(%dma_start3A_162 : memref<16xf32, #tpu.memory_space<vmem>>) target_semaphore(%arg11 : memref<!tpu.dma_semaphore, #tpu.memory_space<semaphore_mem>>)
      %dma_start3A_164 = tpu.memref_slice %arg10[%multiple_of3A_159] : memref<8192xf32, #tpu.memory_space<vmem>> -> memref<16xf32, #tpu.memory_space<vmem>>
      %dma_start3A_165 = tpu.memref_slice %arg5[%multiple_of3A_154] : memref<16000000xf32, #tpu.memory_space<hbm>> -> memref<16xf32, #tpu.memory_space<hbm>>
      %dma_start3A_166 = tpu.memref_slice %arg10[%multiple_of3A_159] : memref<8192xf32, #tpu.memory_space<vmem>> -> memref<16xf32, #tpu.memory_space<vmem>>
      %dma_start3A_167 = tpu.memref_slice %arg5[%multiple_of3A_154] : memref<16000000xf32, #tpu.memory_space<hbm>> -> memref<16xf32, #tpu.memory_space<hbm>>
      tpu.enqueue_dma source(%dma_start3A_167 : memref<16xf32, #tpu.memory_space<hbm>>) target(%dma_start3A_166 : memref<16xf32, #tpu.memory_space<vmem>>) target_semaphore(%arg12 : memref<!tpu.dma_semaphore, #tpu.memory_space<semaphore_mem>>)
      %slice3A_168 = vector.extract_strided_slice %get3A_29 {offsets = [6], sizes = [1], strides = [1]} : vector<16xi32> to vector<1xi32>
      %squeeze3A_169 = vector.extract %slice3A_168[0] : i32 from vector<1xi32>
      %mul3A_170 = arith.constant 16 : i32
      %mul3A_171 = arith.muli %squeeze3A_169, %mul3A_170 : i32
      %multiple_of3A_172 = tpu.assume_multiple %mul3A_171, 16 : i32
      %slice3A_173 = vector.extract_strided_slice %get3A_32 {offsets = [6], sizes = [1], strides = [1]} : vector<16xi32> to vector<1xi32>
      %squeeze3A_174 = vector.extract %slice3A_173[0] : i32 from vector<1xi32>
      %mul3A_175 = arith.constant 16 : i32
      %mul3A_176 = arith.muli %squeeze3A_174, %mul3A_175 : i32
      %multiple_of3A_177 = tpu.assume_multiple %mul3A_176, 16 : i32
      %add3A_178 = arith.constant 6 : i32
      %add3A_179 = arith.addi %mul3A_27, %add3A_178 : i32
      %mul3A_180 = arith.constant 16 : i32
      %mul3A_181 = arith.muli %add3A_179, %mul3A_180 : i32
      %multiple_of3A_182 = tpu.assume_multiple %mul3A_181, 16 : i32
      %dma_start3A_183 = tpu.memref_slice %arg9[%multiple_of3A_182] : memref<8192xf32, #tpu.memory_space<vmem>> -> memref<16xf32, #tpu.memory_space<vmem>>
      %dma_start3A_184 = tpu.memref_slice %arg4[%multiple_of3A_172] : memref<16000000xf32, #tpu.memory_space<hbm>> -> memref<16xf32, #tpu.memory_space<hbm>>
      %dma_start3A_185 = tpu.memref_slice %arg9[%multiple_of3A_182] : memref<8192xf32, #tpu.memory_space<vmem>> -> memref<16xf32, #tpu.memory_space<vmem>>
      %dma_start3A_186 = tpu.memref_slice %arg4[%multiple_of3A_172] : memref<16000000xf32, #tpu.memory_space<hbm>> -> memref<16xf32, #tpu.memory_space<hbm>>
      tpu.enqueue_dma source(%dma_start3A_186 : memref<16xf32, #tpu.memory_space<hbm>>) target(%dma_start3A_185 : memref<16xf32, #tpu.memory_space<vmem>>) target_semaphore(%arg11 : memref<!tpu.dma_semaphore, #tpu.memory_space<semaphore_mem>>)
      %dma_start3A_187 = tpu.memref_slice %arg10[%multiple_of3A_182] : memref<8192xf32, #tpu.memory_space<vmem>> -> memref<16xf32, #tpu.memory_space<vmem>>
      %dma_start3A_188 = tpu.memref_slice %arg5[%multiple_of3A_177] : memref<16000000xf32, #tpu.memory_space<hbm>> -> memref<16xf32, #tpu.memory_space<hbm>>
      %dma_start3A_189 = tpu.memref_slice %arg10[%multiple_of3A_182] : memref<8192xf32, #tpu.memory_space<vmem>> -> memref<16xf32, #tpu.memory_space<vmem>>
      %dma_start3A_190 = tpu.memref_slice %arg5[%multiple_of3A_177] : memref<16000000xf32, #tpu.memory_space<hbm>> -> memref<16xf32, #tpu.memory_space<hbm>>
      tpu.enqueue_dma source(%dma_start3A_190 : memref<16xf32, #tpu.memory_space<hbm>>) target(%dma_start3A_189 : memref<16xf32, #tpu.memory_space<vmem>>) target_semaphore(%arg12 : memref<!tpu.dma_semaphore, #tpu.memory_space<semaphore_mem>>)
      %slice3A_191 = vector.extract_strided_slice %get3A_29 {offsets = [7], sizes = [1], strides = [1]} : vector<16xi32> to vector<1xi32>
      %squeeze3A_192 = vector.extract %slice3A_191[0] : i32 from vector<1xi32>
      %mul3A_193 = arith.constant 16 : i32
      %mul3A_194 = arith.muli %squeeze3A_192, %mul3A_193 : i32
      %multiple_of3A_195 = tpu.assume_multiple %mul3A_194, 16 : i32
      %slice3A_196 = vector.extract_strided_slice %get3A_32 {offsets = [7], sizes = [1], strides = [1]} : vector<16xi32> to vector<1xi32>
      %squeeze3A_197 = vector.extract %slice3A_196[0] : i32 from vector<1xi32>
      %mul3A_198 = arith.constant 16 : i32
      %mul3A_199 = arith.muli %squeeze3A_197, %mul3A_198 : i32
      %multiple_of3A_200 = tpu.assume_multiple %mul3A_199, 16 : i32
      %add3A_201 = arith.constant 7 : i32
      %add3A_202 = arith.addi %mul3A_27, %add3A_201 : i32
      %mul3A_203 = arith.constant 16 : i32
      %mul3A_204 = arith.muli %add3A_202, %mul3A_203 : i32
      %multiple_of3A_205 = tpu.assume_multiple %mul3A_204, 16 : i32
      %dma_start3A_206 = tpu.memref_slice %arg9[%multiple_of3A_205] : memref<8192xf32, #tpu.memory_space<vmem>> -> memref<16xf32, #tpu.memory_space<vmem>>
      %dma_start3A_207 = tpu.memref_slice %arg4[%multiple_of3A_195] : memref<16000000xf32, #tpu.memory_space<hbm>> -> memref<16xf32, #tpu.memory_space<hbm>>
      %dma_start3A_208 = tpu.memref_slice %arg9[%multiple_of3A_205] : memref<8192xf32, #tpu.memory_space<vmem>> -> memref<16xf32, #tpu.memory_space<vmem>>
      %dma_start3A_209 = tpu.memref_slice %arg4[%multiple_of3A_195] : memref<16000000xf32, #tpu.memory_space<hbm>> -> memref<16xf32, #tpu.memory_space<hbm>>
      tpu.enqueue_dma source(%dma_start3A_209 : memref<16xf32, #tpu.memory_space<hbm>>) target(%dma_start3A_208 : memref<16xf32, #tpu.memory_space<vmem>>) target_semaphore(%arg11 : memref<!tpu.dma_semaphore, #tpu.memory_space<semaphore_mem>>)
      %dma_start3A_210 = tpu.memref_slice %arg10[%multiple_of3A_205] : memref<8192xf32, #tpu.memory_space<vmem>> -> memref<16xf32, #tpu.memory_space<vmem>>
      %dma_start3A_211 = tpu.memref_slice %arg5[%multiple_of3A_200] : memref<16000000xf32, #tpu.memory_space<hbm>> -> memref<16xf32, #tpu.memory_space<hbm>>
      %dma_start3A_212 = tpu.memref_slice %arg10[%multiple_of3A_205] : memref<8192xf32, #tpu.memory_space<vmem>> -> memref<16xf32, #tpu.memory_space<vmem>>
      %dma_start3A_213 = tpu.memref_slice %arg5[%multiple_of3A_200] : memref<16000000xf32, #tpu.memory_space<hbm>> -> memref<16xf32, #tpu.memory_space<hbm>>
      tpu.enqueue_dma source(%dma_start3A_213 : memref<16xf32, #tpu.memory_space<hbm>>) target(%dma_start3A_212 : memref<16xf32, #tpu.memory_space<vmem>>) target_semaphore(%arg12 : memref<!tpu.dma_semaphore, #tpu.memory_space<semaphore_mem>>)
      %slice3A_214 = vector.extract_strided_slice %get3A_29 {offsets = [8], sizes = [1], strides = [1]} : vector<16xi32> to vector<1xi32>
      %squeeze3A_215 = vector.extract %slice3A_214[0] : i32 from vector<1xi32>
      %mul3A_216 = arith.constant 16 : i32
      %mul3A_217 = arith.muli %squeeze3A_215, %mul3A_216 : i32
      %multiple_of3A_218 = tpu.assume_multiple %mul3A_217, 16 : i32
      %slice3A_219 = vector.extract_strided_slice %get3A_32 {offsets = [8], sizes = [1], strides = [1]} : vector<16xi32> to vector<1xi32>
      %squeeze3A_220 = vector.extract %slice3A_219[0] : i32 from vector<1xi32>
      %mul3A_221 = arith.constant 16 : i32
      %mul3A_222 = arith.muli %squeeze3A_220, %mul3A_221 : i32
      %multiple_of3A_223 = tpu.assume_multiple %mul3A_222, 16 : i32
      %add3A_224 = arith.constant 8 : i32
      %add3A_225 = arith.addi %mul3A_27, %add3A_224 : i32
      %mul3A_226 = arith.constant 16 : i32
      %mul3A_227 = arith.muli %add3A_225, %mul3A_226 : i32
      %multiple_of3A_228 = tpu.assume_multiple %mul3A_227, 16 : i32
      %dma_start3A_229 = tpu.memref_slice %arg9[%multiple_of3A_228] : memref<8192xf32, #tpu.memory_space<vmem>> -> memref<16xf32, #tpu.memory_space<vmem>>
      %dma_start3A_230 = tpu.memref_slice %arg4[%multiple_of3A_218] : memref<16000000xf32, #tpu.memory_space<hbm>> -> memref<16xf32, #tpu.memory_space<hbm>>
      %dma_start3A_231 = tpu.memref_slice %arg9[%multiple_of3A_228] : memref<8192xf32, #tpu.memory_space<vmem>> -> memref<16xf32, #tpu.memory_space<vmem>>
      %dma_start3A_232 = tpu.memref_slice %arg4[%multiple_of3A_218] : memref<16000000xf32, #tpu.memory_space<hbm>> -> memref<16xf32, #tpu.memory_space<hbm>>
      tpu.enqueue_dma source(%dma_start3A_232 : memref<16xf32, #tpu.memory_space<hbm>>) target(%dma_start3A_231 : memref<16xf32, #tpu.memory_space<vmem>>) target_semaphore(%arg11 : memref<!tpu.dma_semaphore, #tpu.memory_space<semaphore_mem>>)
      %dma_start3A_233 = tpu.memref_slice %arg10[%multiple_of3A_228] : memref<8192xf32, #tpu.memory_space<vmem>> -> memref<16xf32, #tpu.memory_space<vmem>>
      %dma_start3A_234 = tpu.memref_slice %arg5[%multiple_of3A_223] : memref<16000000xf32, #tpu.memory_space<hbm>> -> memref<16xf32, #tpu.memory_space<hbm>>
      %dma_start3A_235 = tpu.memref_slice %arg10[%multiple_of3A_228] : memref<8192xf32, #tpu.memory_space<vmem>> -> memref<16xf32, #tpu.memory_space<vmem>>
      %dma_start3A_236 = tpu.memref_slice %arg5[%multiple_of3A_223] : memref<16000000xf32, #tpu.memory_space<hbm>> -> memref<16xf32, #tpu.memory_space<hbm>>
      tpu.enqueue_dma source(%dma_start3A_236 : memref<16xf32, #tpu.memory_space<hbm>>) target(%dma_start3A_235 : memref<16xf32, #tpu.memory_space<vmem>>) target_semaphore(%arg12 : memref<!tpu.dma_semaphore, #tpu.memory_space<semaphore_mem>>)
      %slice3A_237 = vector.extract_strided_slice %get3A_29 {offsets = [9], sizes = [1], strides = [1]} : vector<16xi32> to vector<1xi32>
      %squeeze3A_238 = vector.extract %slice3A_237[0] : i32 from vector<1xi32>
      %mul3A_239 = arith.constant 16 : i32
      %mul3A_240 = arith.muli %squeeze3A_238, %mul3A_239 : i32
      %multiple_of3A_241 = tpu.assume_multiple %mul3A_240, 16 : i32
      %slice3A_242 = vector.extract_strided_slice %get3A_32 {offsets = [9], sizes = [1], strides = [1]} : vector<16xi32> to vector<1xi32>
      %squeeze3A_243 = vector.extract %slice3A_242[0] : i32 from vector<1xi32>
      %mul3A_244 = arith.constant 16 : i32
      %mul3A_245 = arith.muli %squeeze3A_243, %mul3A_244 : i32
      %multiple_of3A_246 = tpu.assume_multiple %mul3A_245, 16 : i32
      %add3A_247 = arith.constant 9 : i32
      %add3A_248 = arith.addi %mul3A_27, %add3A_247 : i32
      %mul3A_249 = arith.constant 16 : i32
      %mul3A_250 = arith.muli %add3A_248, %mul3A_249 : i32
      %multiple_of3A_251 = tpu.assume_multiple %mul3A_250, 16 : i32
      %dma_start3A_252 = tpu.memref_slice %arg9[%multiple_of3A_251] : memref<8192xf32, #tpu.memory_space<vmem>> -> memref<16xf32, #tpu.memory_space<vmem>>
      %dma_start3A_253 = tpu.memref_slice %arg4[%multiple_of3A_241] : memref<16000000xf32, #tpu.memory_space<hbm>> -> memref<16xf32, #tpu.memory_space<hbm>>
      %dma_start3A_254 = tpu.memref_slice %arg9[%multiple_of3A_251] : memref<8192xf32, #tpu.memory_space<vmem>> -> memref<16xf32, #tpu.memory_space<vmem>>
      %dma_start3A_255 = tpu.memref_slice %arg4[%multiple_of3A_241] : memref<16000000xf32, #tpu.memory_space<hbm>> -> memref<16xf32, #tpu.memory_space<hbm>>
      tpu.enqueue_dma source(%dma_start3A_255 : memref<16xf32, #tpu.memory_space<hbm>>) target(%dma_start3A_254 : memref<16xf32, #tpu.memory_space<vmem>>) target_semaphore(%arg11 : memref<!tpu.dma_semaphore, #tpu.memory_space<semaphore_mem>>)
      %dma_start3A_256 = tpu.memref_slice %arg10[%multiple_of3A_251] : memref<8192xf32, #tpu.memory_space<vmem>> -> memref<16xf32, #tpu.memory_space<vmem>>
      %dma_start3A_257 = tpu.memref_slice %arg5[%multiple_of3A_246] : memref<16000000xf32, #tpu.memory_space<hbm>> -> memref<16xf32, #tpu.memory_space<hbm>>
      %dma_start3A_258 = tpu.memref_slice %arg10[%multiple_of3A_251] : memref<8192xf32, #tpu.memory_space<vmem>> -> memref<16xf32, #tpu.memory_space<vmem>>
      %dma_start3A_259 = tpu.memref_slice %arg5[%multiple_of3A_246] : memref<16000000xf32, #tpu.memory_space<hbm>> -> memref<16xf32, #tpu.memory_space<hbm>>
      tpu.enqueue_dma source(%dma_start3A_259 : memref<16xf32, #tpu.memory_space<hbm>>) target(%dma_start3A_258 : memref<16xf32, #tpu.memory_space<vmem>>) target_semaphore(%arg12 : memref<!tpu.dma_semaphore, #tpu.memory_space<semaphore_mem>>)
      %slice3A_260 = vector.extract_strided_slice %get3A_29 {offsets = [10], sizes = [1], strides = [1]} : vector<16xi32> to vector<1xi32>
      %squeeze3A_261 = vector.extract %slice3A_260[0] : i32 from vector<1xi32>
      %mul3A_262 = arith.constant 16 : i32
      %mul3A_263 = arith.muli %squeeze3A_261, %mul3A_262 : i32
      %multiple_of3A_264 = tpu.assume_multiple %mul3A_263, 16 : i32
      %slice3A_265 = vector.extract_strided_slice %get3A_32 {offsets = [10], sizes = [1], strides = [1]} : vector<16xi32> to vector<1xi32>
      %squeeze3A_266 = vector.extract %slice3A_265[0] : i32 from vector<1xi32>
      %mul3A_267 = arith.constant 16 : i32
      %mul3A_268 = arith.muli %squeeze3A_266, %mul3A_267 : i32
      %multiple_of3A_269 = tpu.assume_multiple %mul3A_268, 16 : i32
      %add3A_270 = arith.constant 10 : i32
      %add3A_271 = arith.addi %mul3A_27, %add3A_270 : i32
      %mul3A_272 = arith.constant 16 : i32
      %mul3A_273 = arith.muli %add3A_271, %mul3A_272 : i32
      %multiple_of3A_274 = tpu.assume_multiple %mul3A_273, 16 : i32
      %dma_start3A_275 = tpu.memref_slice %arg9[%multiple_of3A_274] : memref<8192xf32, #tpu.memory_space<vmem>> -> memref<16xf32, #tpu.memory_space<vmem>>
      %dma_start3A_276 = tpu.memref_slice %arg4[%multiple_of3A_264] : memref<16000000xf32, #tpu.memory_space<hbm>> -> memref<16xf32, #tpu.memory_space<hbm>>
      %dma_start3A_277 = tpu.memref_slice %arg9[%multiple_of3A_274] : memref<8192xf32, #tpu.memory_space<vmem>> -> memref<16xf32, #tpu.memory_space<vmem>>
      %dma_start3A_278 = tpu.memref_slice %arg4[%multiple_of3A_264] : memref<16000000xf32, #tpu.memory_space<hbm>> -> memref<16xf32, #tpu.memory_space<hbm>>
      tpu.enqueue_dma source(%dma_start3A_278 : memref<16xf32, #tpu.memory_space<hbm>>) target(%dma_start3A_277 : memref<16xf32, #tpu.memory_space<vmem>>) target_semaphore(%arg11 : memref<!tpu.dma_semaphore, #tpu.memory_space<semaphore_mem>>)
      %dma_start3A_279 = tpu.memref_slice %arg10[%multiple_of3A_274] : memref<8192xf32, #tpu.memory_space<vmem>> -> memref<16xf32, #tpu.memory_space<vmem>>
      %dma_start3A_280 = tpu.memref_slice %arg5[%multiple_of3A_269] : memref<16000000xf32, #tpu.memory_space<hbm>> -> memref<16xf32, #tpu.memory_space<hbm>>
      %dma_start3A_281 = tpu.memref_slice %arg10[%multiple_of3A_274] : memref<8192xf32, #tpu.memory_space<vmem>> -> memref<16xf32, #tpu.memory_space<vmem>>
      %dma_start3A_282 = tpu.memref_slice %arg5[%multiple_of3A_269] : memref<16000000xf32, #tpu.memory_space<hbm>> -> memref<16xf32, #tpu.memory_space<hbm>>
      tpu.enqueue_dma source(%dma_start3A_282 : memref<16xf32, #tpu.memory_space<hbm>>) target(%dma_start3A_281 : memref<16xf32, #tpu.memory_space<vmem>>) target_semaphore(%arg12 : memref<!tpu.dma_semaphore, #tpu.memory_space<semaphore_mem>>)
      %slice3A_283 = vector.extract_strided_slice %get3A_29 {offsets = [11], sizes = [1], strides = [1]} : vector<16xi32> to vector<1xi32>
      %squeeze3A_284 = vector.extract %slice3A_283[0] : i32 from vector<1xi32>
      %mul3A_285 = arith.constant 16 : i32
      %mul3A_286 = arith.muli %squeeze3A_284, %mul3A_285 : i32
      %multiple_of3A_287 = tpu.assume_multiple %mul3A_286, 16 : i32
      %slice3A_288 = vector.extract_strided_slice %get3A_32 {offsets = [11], sizes = [1], strides = [1]} : vector<16xi32> to vector<1xi32>
      %squeeze3A_289 = vector.extract %slice3A_288[0] : i32 from vector<1xi32>
      %mul3A_290 = arith.constant 16 : i32
      %mul3A_291 = arith.muli %squeeze3A_289, %mul3A_290 : i32
      %multiple_of3A_292 = tpu.assume_multiple %mul3A_291, 16 : i32
      %add3A_293 = arith.constant 11 : i32
      %add3A_294 = arith.addi %mul3A_27, %add3A_293 : i32
      %mul3A_295 = arith.constant 16 : i32
      %mul3A_296 = arith.muli %add3A_294, %mul3A_295 : i32
      %multiple_of3A_297 = tpu.assume_multiple %mul3A_296, 16 : i32
      %dma_start3A_298 = tpu.memref_slice %arg9[%multiple_of3A_297] : memref<8192xf32, #tpu.memory_space<vmem>> -> memref<16xf32, #tpu.memory_space<vmem>>
      %dma_start3A_299 = tpu.memref_slice %arg4[%multiple_of3A_287] : memref<16000000xf32, #tpu.memory_space<hbm>> -> memref<16xf32, #tpu.memory_space<hbm>>
      %dma_start3A_300 = tpu.memref_slice %arg9[%multiple_of3A_297] : memref<8192xf32, #tpu.memory_space<vmem>> -> memref<16xf32, #tpu.memory_space<vmem>>
      %dma_start3A_301 = tpu.memref_slice %arg4[%multiple_of3A_287] : memref<16000000xf32, #tpu.memory_space<hbm>> -> memref<16xf32, #tpu.memory_space<hbm>>
      tpu.enqueue_dma source(%dma_start3A_301 : memref<16xf32, #tpu.memory_space<hbm>>) target(%dma_start3A_300 : memref<16xf32, #tpu.memory_space<vmem>>) target_semaphore(%arg11 : memref<!tpu.dma_semaphore, #tpu.memory_space<semaphore_mem>>)
      %dma_start3A_302 = tpu.memref_slice %arg10[%multiple_of3A_297] : memref<8192xf32, #tpu.memory_space<vmem>> -> memref<16xf32, #tpu.memory_space<vmem>>
      %dma_start3A_303 = tpu.memref_slice %arg5[%multiple_of3A_292] : memref<16000000xf32, #tpu.memory_space<hbm>> -> memref<16xf32, #tpu.memory_space<hbm>>
      %dma_start3A_304 = tpu.memref_slice %arg10[%multiple_of3A_297] : memref<8192xf32, #tpu.memory_space<vmem>> -> memref<16xf32, #tpu.memory_space<vmem>>
      %dma_start3A_305 = tpu.memref_slice %arg5[%multiple_of3A_292] : memref<16000000xf32, #tpu.memory_space<hbm>> -> memref<16xf32, #tpu.memory_space<hbm>>
      tpu.enqueue_dma source(%dma_start3A_305 : memref<16xf32, #tpu.memory_space<hbm>>) target(%dma_start3A_304 : memref<16xf32, #tpu.memory_space<vmem>>) target_semaphore(%arg12 : memref<!tpu.dma_semaphore, #tpu.memory_space<semaphore_mem>>)
      %slice3A_306 = vector.extract_strided_slice %get3A_29 {offsets = [12], sizes = [1], strides = [1]} : vector<16xi32> to vector<1xi32>
      %squeeze3A_307 = vector.extract %slice3A_306[0] : i32 from vector<1xi32>
      %mul3A_308 = arith.constant 16 : i32
      %mul3A_309 = arith.muli %squeeze3A_307, %mul3A_308 : i32
      %multiple_of3A_310 = tpu.assume_multiple %mul3A_309, 16 : i32
      %slice3A_311 = vector.extract_strided_slice %get3A_32 {offsets = [12], sizes = [1], strides = [1]} : vector<16xi32> to vector<1xi32>
      %squeeze3A_312 = vector.extract %slice3A_311[0] : i32 from vector<1xi32>
      %mul3A_313 = arith.constant 16 : i32
      %mul3A_314 = arith.muli %squeeze3A_312, %mul3A_313 : i32
      %multiple_of3A_315 = tpu.assume_multiple %mul3A_314, 16 : i32
      %add3A_316 = arith.constant 12 : i32
      %add3A_317 = arith.addi %mul3A_27, %add3A_316 : i32
      %mul3A_318 = arith.constant 16 : i32
      %mul3A_319 = arith.muli %add3A_317, %mul3A_318 : i32
      %multiple_of3A_320 = tpu.assume_multiple %mul3A_319, 16 : i32
      %dma_start3A_321 = tpu.memref_slice %arg9[%multiple_of3A_320] : memref<8192xf32, #tpu.memory_space<vmem>> -> memref<16xf32, #tpu.memory_space<vmem>>
      %dma_start3A_322 = tpu.memref_slice %arg4[%multiple_of3A_310] : memref<16000000xf32, #tpu.memory_space<hbm>> -> memref<16xf32, #tpu.memory_space<hbm>>
      %dma_start3A_323 = tpu.memref_slice %arg9[%multiple_of3A_320] : memref<8192xf32, #tpu.memory_space<vmem>> -> memref<16xf32, #tpu.memory_space<vmem>>
      %dma_start3A_324 = tpu.memref_slice %arg4[%multiple_of3A_310] : memref<16000000xf32, #tpu.memory_space<hbm>> -> memref<16xf32, #tpu.memory_space<hbm>>
      tpu.enqueue_dma source(%dma_start3A_324 : memref<16xf32, #tpu.memory_space<hbm>>) target(%dma_start3A_323 : memref<16xf32, #tpu.memory_space<vmem>>) target_semaphore(%arg11 : memref<!tpu.dma_semaphore, #tpu.memory_space<semaphore_mem>>)
      %dma_start3A_325 = tpu.memref_slice %arg10[%multiple_of3A_320] : memref<8192xf32, #tpu.memory_space<vmem>> -> memref<16xf32, #tpu.memory_space<vmem>>
      %dma_start3A_326 = tpu.memref_slice %arg5[%multiple_of3A_315] : memref<16000000xf32, #tpu.memory_space<hbm>> -> memref<16xf32, #tpu.memory_space<hbm>>
      %dma_start3A_327 = tpu.memref_slice %arg10[%multiple_of3A_320] : memref<8192xf32, #tpu.memory_space<vmem>> -> memref<16xf32, #tpu.memory_space<vmem>>
      %dma_start3A_328 = tpu.memref_slice %arg5[%multiple_of3A_315] : memref<16000000xf32, #tpu.memory_space<hbm>> -> memref<16xf32, #tpu.memory_space<hbm>>
      tpu.enqueue_dma source(%dma_start3A_328 : memref<16xf32, #tpu.memory_space<hbm>>) target(%dma_start3A_327 : memref<16xf32, #tpu.memory_space<vmem>>) target_semaphore(%arg12 : memref<!tpu.dma_semaphore, #tpu.memory_space<semaphore_mem>>)
      %slice3A_329 = vector.extract_strided_slice %get3A_29 {offsets = [13], sizes = [1], strides = [1]} : vector<16xi32> to vector<1xi32>
      %squeeze3A_330 = vector.extract %slice3A_329[0] : i32 from vector<1xi32>
      %mul3A_331 = arith.constant 16 : i32
      %mul3A_332 = arith.muli %squeeze3A_330, %mul3A_331 : i32
      %multiple_of3A_333 = tpu.assume_multiple %mul3A_332, 16 : i32
      %slice3A_334 = vector.extract_strided_slice %get3A_32 {offsets = [13], sizes = [1], strides = [1]} : vector<16xi32> to vector<1xi32>
      %squeeze3A_335 = vector.extract %slice3A_334[0] : i32 from vector<1xi32>
      %mul3A_336 = arith.constant 16 : i32
      %mul3A_337 = arith.muli %squeeze3A_335, %mul3A_336 : i32
      %multiple_of3A_338 = tpu.assume_multiple %mul3A_337, 16 : i32
      %add3A_339 = arith.constant 13 : i32
      %add3A_340 = arith.addi %mul3A_27, %add3A_339 : i32
      %mul3A_341 = arith.constant 16 : i32
      %mul3A_342 = arith.muli %add3A_340, %mul3A_341 : i32
      %multiple_of3A_343 = tpu.assume_multiple %mul3A_342, 16 : i32
      %dma_start3A_344 = tpu.memref_slice %arg9[%multiple_of3A_343] : memref<8192xf32, #tpu.memory_space<vmem>> -> memref<16xf32, #tpu.memory_space<vmem>>
      %dma_start3A_345 = tpu.memref_slice %arg4[%multiple_of3A_333] : memref<16000000xf32, #tpu.memory_space<hbm>> -> memref<16xf32, #tpu.memory_space<hbm>>
      %dma_start3A_346 = tpu.memref_slice %arg9[%multiple_of3A_343] : memref<8192xf32, #tpu.memory_space<vmem>> -> memref<16xf32, #tpu.memory_space<vmem>>
      %dma_start3A_347 = tpu.memref_slice %arg4[%multiple_of3A_333] : memref<16000000xf32, #tpu.memory_space<hbm>> -> memref<16xf32, #tpu.memory_space<hbm>>
      tpu.enqueue_dma source(%dma_start3A_347 : memref<16xf32, #tpu.memory_space<hbm>>) target(%dma_start3A_346 : memref<16xf32, #tpu.memory_space<vmem>>) target_semaphore(%arg11 : memref<!tpu.dma_semaphore, #tpu.memory_space<semaphore_mem>>)
      %dma_start3A_348 = tpu.memref_slice %arg10[%multiple_of3A_343] : memref<8192xf32, #tpu.memory_space<vmem>> -> memref<16xf32, #tpu.memory_space<vmem>>
      %dma_start3A_349 = tpu.memref_slice %arg5[%multiple_of3A_338] : memref<16000000xf32, #tpu.memory_space<hbm>> -> memref<16xf32, #tpu.memory_space<hbm>>
      %dma_start3A_350 = tpu.memref_slice %arg10[%multiple_of3A_343] : memref<8192xf32, #tpu.memory_space<vmem>> -> memref<16xf32, #tpu.memory_space<vmem>>
      %dma_start3A_351 = tpu.memref_slice %arg5[%multiple_of3A_338] : memref<16000000xf32, #tpu.memory_space<hbm>> -> memref<16xf32, #tpu.memory_space<hbm>>
      tpu.enqueue_dma source(%dma_start3A_351 : memref<16xf32, #tpu.memory_space<hbm>>) target(%dma_start3A_350 : memref<16xf32, #tpu.memory_space<vmem>>) target_semaphore(%arg12 : memref<!tpu.dma_semaphore, #tpu.memory_space<semaphore_mem>>)
      %slice3A_352 = vector.extract_strided_slice %get3A_29 {offsets = [14], sizes = [1], strides = [1]} : vector<16xi32> to vector<1xi32>
      %squeeze3A_353 = vector.extract %slice3A_352[0] : i32 from vector<1xi32>
      %mul3A_354 = arith.constant 16 : i32
      %mul3A_355 = arith.muli %squeeze3A_353, %mul3A_354 : i32
      %multiple_of3A_356 = tpu.assume_multiple %mul3A_355, 16 : i32
      %slice3A_357 = vector.extract_strided_slice %get3A_32 {offsets = [14], sizes = [1], strides = [1]} : vector<16xi32> to vector<1xi32>
      %squeeze3A_358 = vector.extract %slice3A_357[0] : i32 from vector<1xi32>
      %mul3A_359 = arith.constant 16 : i32
      %mul3A_360 = arith.muli %squeeze3A_358, %mul3A_359 : i32
      %multiple_of3A_361 = tpu.assume_multiple %mul3A_360, 16 : i32
      %add3A_362 = arith.constant 14 : i32
      %add3A_363 = arith.addi %mul3A_27, %add3A_362 : i32
      %mul3A_364 = arith.constant 16 : i32
      %mul3A_365 = arith.muli %add3A_363, %mul3A_364 : i32
      %multiple_of3A_366 = tpu.assume_multiple %mul3A_365, 16 : i32
      %dma_start3A_367 = tpu.memref_slice %arg9[%multiple_of3A_366] : memref<8192xf32, #tpu.memory_space<vmem>> -> memref<16xf32, #tpu.memory_space<vmem>>
      %dma_start3A_368 = tpu.memref_slice %arg4[%multiple_of3A_356] : memref<16000000xf32, #tpu.memory_space<hbm>> -> memref<16xf32, #tpu.memory_space<hbm>>
      %dma_start3A_369 = tpu.memref_slice %arg9[%multiple_of3A_366] : memref<8192xf32, #tpu.memory_space<vmem>> -> memref<16xf32, #tpu.memory_space<vmem>>
      %dma_start3A_370 = tpu.memref_slice %arg4[%multiple_of3A_356] : memref<16000000xf32, #tpu.memory_space<hbm>> -> memref<16xf32, #tpu.memory_space<hbm>>
      tpu.enqueue_dma source(%dma_start3A_370 : memref<16xf32, #tpu.memory_space<hbm>>) target(%dma_start3A_369 : memref<16xf32, #tpu.memory_space<vmem>>) target_semaphore(%arg11 : memref<!tpu.dma_semaphore, #tpu.memory_space<semaphore_mem>>)
      %dma_start3A_371 = tpu.memref_slice %arg10[%multiple_of3A_366] : memref<8192xf32, #tpu.memory_space<vmem>> -> memref<16xf32, #tpu.memory_space<vmem>>
      %dma_start3A_372 = tpu.memref_slice %arg5[%multiple_of3A_361] : memref<16000000xf32, #tpu.memory_space<hbm>> -> memref<16xf32, #tpu.memory_space<hbm>>
      %dma_start3A_373 = tpu.memref_slice %arg10[%multiple_of3A_366] : memref<8192xf32, #tpu.memory_space<vmem>> -> memref<16xf32, #tpu.memory_space<vmem>>
      %dma_start3A_374 = tpu.memref_slice %arg5[%multiple_of3A_361] : memref<16000000xf32, #tpu.memory_space<hbm>> -> memref<16xf32, #tpu.memory_space<hbm>>
      tpu.enqueue_dma source(%dma_start3A_374 : memref<16xf32, #tpu.memory_space<hbm>>) target(%dma_start3A_373 : memref<16xf32, #tpu.memory_space<vmem>>) target_semaphore(%arg12 : memref<!tpu.dma_semaphore, #tpu.memory_space<semaphore_mem>>)
      %slice3A_375 = vector.extract_strided_slice %get3A_29 {offsets = [15], sizes = [1], strides = [1]} : vector<16xi32> to vector<1xi32>
      %squeeze3A_376 = vector.extract %slice3A_375[0] : i32 from vector<1xi32>
      %mul3A_377 = arith.constant 16 : i32
      %mul3A_378 = arith.muli %squeeze3A_376, %mul3A_377 : i32
      %multiple_of3A_379 = tpu.assume_multiple %mul3A_378, 16 : i32
      %slice3A_380 = vector.extract_strided_slice %get3A_32 {offsets = [15], sizes = [1], strides = [1]} : vector<16xi32> to vector<1xi32>
      %squeeze3A_381 = vector.extract %slice3A_380[0] : i32 from vector<1xi32>
      %mul3A_382 = arith.constant 16 : i32
      %mul3A_383 = arith.muli %squeeze3A_381, %mul3A_382 : i32
      %multiple_of3A_384 = tpu.assume_multiple %mul3A_383, 16 : i32
      %add3A_385 = arith.constant 15 : i32
      %add3A_386 = arith.addi %mul3A_27, %add3A_385 : i32
      %mul3A_387 = arith.constant 16 : i32
      %mul3A_388 = arith.muli %add3A_386, %mul3A_387 : i32
      %multiple_of3A_389 = tpu.assume_multiple %mul3A_388, 16 : i32
      %dma_start3A_390 = tpu.memref_slice %arg9[%multiple_of3A_389] : memref<8192xf32, #tpu.memory_space<vmem>> -> memref<16xf32, #tpu.memory_space<vmem>>
      %dma_start3A_391 = tpu.memref_slice %arg4[%multiple_of3A_379] : memref<16000000xf32, #tpu.memory_space<hbm>> -> memref<16xf32, #tpu.memory_space<hbm>>
      %dma_start3A_392 = tpu.memref_slice %arg9[%multiple_of3A_389] : memref<8192xf32, #tpu.memory_space<vmem>> -> memref<16xf32, #tpu.memory_space<vmem>>
      %dma_start3A_393 = tpu.memref_slice %arg4[%multiple_of3A_379] : memref<16000000xf32, #tpu.memory_space<hbm>> -> memref<16xf32, #tpu.memory_space<hbm>>
      tpu.enqueue_dma source(%dma_start3A_393 : memref<16xf32, #tpu.memory_space<hbm>>) target(%dma_start3A_392 : memref<16xf32, #tpu.memory_space<vmem>>) target_semaphore(%arg11 : memref<!tpu.dma_semaphore, #tpu.memory_space<semaphore_mem>>)
      %dma_start3A_394 = tpu.memref_slice %arg10[%multiple_of3A_389] : memref<8192xf32, #tpu.memory_space<vmem>> -> memref<16xf32, #tpu.memory_space<vmem>>
      %dma_start3A_395 = tpu.memref_slice %arg5[%multiple_of3A_384] : memref<16000000xf32, #tpu.memory_space<hbm>> -> memref<16xf32, #tpu.memory_space<hbm>>
      %dma_start3A_396 = tpu.memref_slice %arg10[%multiple_of3A_389] : memref<8192xf32, #tpu.memory_space<vmem>> -> memref<16xf32, #tpu.memory_space<vmem>>
      %dma_start3A_397 = tpu.memref_slice %arg5[%multiple_of3A_384] : memref<16000000xf32, #tpu.memory_space<hbm>> -> memref<16xf32, #tpu.memory_space<hbm>>
      tpu.enqueue_dma source(%dma_start3A_397 : memref<16xf32, #tpu.memory_space<hbm>>) target(%dma_start3A_396 : memref<16xf32, #tpu.memory_space<vmem>>) target_semaphore(%arg12 : memref<!tpu.dma_semaphore, #tpu.memory_space<semaphore_mem>>)
    }
    %scan3A_6 = arith.constant 32 : i32
    %dma_wait3A = arith.constant 0 : i32
    %dma_wait3A_7 = tpu.memref_slice %arg4[%dma_wait3A] : memref<16000000xf32, #tpu.memory_space<hbm>> -> memref<8192xf32, #tpu.memory_space<hbm>>
    %dma_wait3A_8 = arith.constant 0 : i32
    %dma_wait3A_9 = tpu.memref_slice %arg4[%dma_wait3A_8] : memref<16000000xf32, #tpu.memory_space<hbm>> -> memref<8192xf32, #tpu.memory_space<hbm>>
    tpu.wait_dma2 semaphore(%arg11 : memref<!tpu.dma_semaphore, #tpu.memory_space<semaphore_mem>>) src(%dma_wait3A_9 : memref<8192xf32, #tpu.memory_space<hbm>>) dst(%arg9 : memref<8192xf32, #tpu.memory_space<vmem>>)
    %dma_wait3A_10 = arith.constant 0 : i32
    %dma_wait3A_11 = tpu.memref_slice %arg5[%dma_wait3A_10] : memref<16000000xf32, #tpu.memory_space<hbm>> -> memref<8192xf32, #tpu.memory_space<hbm>>
    %dma_wait3A_12 = arith.constant 0 : i32
    %dma_wait3A_13 = tpu.memref_slice %arg5[%dma_wait3A_12] : memref<16000000xf32, #tpu.memory_space<hbm>> -> memref<8192xf32, #tpu.memory_space<hbm>>
    tpu.wait_dma2 semaphore(%arg12 : memref<!tpu.dma_semaphore, #tpu.memory_space<semaphore_mem>>) src(%dma_wait3A_13 : memref<8192xf32, #tpu.memory_space<hbm>>) dst(%arg10 : memref<8192xf32, #tpu.memory_space<vmem>>)
    %scan3A_14 = arith.constant 0 : i32
    %scan3A_15 = arith.constant 512 : i32
    %scan3A_16 = arith.addi %scan3A_14, %scan3A_15 : i32
    %scan3A_17 = arith.constant 1 : i32
    scf.for %scan3A_21 = %scan3A_14 to %scan3A_16 step %scan3A_17  : i32 {
      %mul3A_22 = arith.constant 1 : i32
      %mul3A_23 = arith.muli %scan3A_21, %mul3A_22 : i32
      %add3A_24 = arith.constant 0 : i32
      %add3A_25 = arith.addi %add3A_24, %mul3A_23 : i32
      %mul3A_26 = arith.constant 16 : i32
      %mul3A_27 = arith.muli %add3A_25, %mul3A_26 : i32
      %multiple_of3A_28 = tpu.assume_multiple %mul3A_27, 16 : i32
      %get3A = arith.index_cast %multiple_of3A_28 : i32 to index
      %get3A_29 = tpu.vector_load %arg9[%get3A] {strides = array<i32>} : memref<8192xf32, #tpu.memory_space<vmem>>, vector<16xf32>,
      %get3A_30 = vector.shape_cast %get3A_29 : vector<16xf32> to vector<16xf32>
      %get3A_31 = arith.index_cast %multiple_of3A_28 : i32 to index
      %get3A_32 = tpu.vector_load %arg10[%get3A_31] {strides = array<i32>} : memref<8192xf32, #tpu.memory_space<vmem>>, vector<16xf32>,
      %get3A_33 = vector.shape_cast %get3A_32 : vector<16xf32> to vector<16xf32>
      %mul3A_34 = arith.mulf %get3A_30, %get3A_33 : vector<16xf32>
      %swap3A = arith.index_cast %multiple_of3A_28 : i32 to index
      %swap3A_35 = tpu.vector_load %arg9[%swap3A] {strides = array<i32>} : memref<8192xf32, #tpu.memory_space<vmem>>, vector<16xf32>,
      %swap3A_36 = vector.shape_cast %swap3A_35 : vector<16xf32> to vector<16xf32>
      %swap3A_37 = vector.shape_cast %mul3A_34 : vector<16xf32> to vector<16xf32>
      tpu.vector_store %arg9[%swap3A], %swap3A_37 {strides = array<i32>} : memref<8192xf32, #tpu.memory_space<vmem>>, vector<16xf32>,
    }
    %scan3A_18 = arith.constant 512 : i32
    %mul3A_19 = arith.constant 16 : i32
    %mul3A_20 = arith.muli %mul3A_2, %mul3A_19 : i32
    %multiple_of3A = tpu.assume_multiple %mul3A_20, 8192 : i32
    "tpu.region"() ({
      %run_scoped3A = tpu.sem_alloc : memref<!tpu.dma_semaphore, #tpu.memory_space<semaphore_mem>>
      %dma_start3A = tpu.memref_slice %arg6[%multiple_of3A] : memref<262144xf32, #tpu.memory_space<hbm>> -> memref<8192xf32, #tpu.memory_space<hbm>>
      %dma_start3A_21 = tpu.memref_slice %arg6[%multiple_of3A] : memref<262144xf32, #tpu.memory_space<hbm>> -> memref<8192xf32, #tpu.memory_space<hbm>>
      tpu.enqueue_dma source(%arg9 : memref<8192xf32, #tpu.memory_space<vmem>>) target(%dma_start3A_21 : memref<8192xf32, #tpu.memory_space<hbm>>) target_semaphore(%run_scoped3A : memref<!tpu.dma_semaphore, #tpu.memory_space<semaphore_mem>>)
      %dma_wait3A_22 = tpu.memref_slice %arg6[%multiple_of3A] : memref<262144xf32, #tpu.memory_space<hbm>> -> memref<8192xf32, #tpu.memory_space<hbm>>
      %dma_wait3A_23 = tpu.memref_slice %arg6[%multiple_of3A] : memref<262144xf32, #tpu.memory_space<hbm>> -> memref<8192xf32, #tpu.memory_space<hbm>>
      tpu.wait_dma2 semaphore(%run_scoped3A : memref<!tpu.dma_semaphore, #tpu.memory_space<semaphore_mem>>) src(%arg9 : memref<8192xf32, #tpu.memory_space<vmem>>) dst(%dma_wait3A_23 : memref<8192xf32, #tpu.memory_space<hbm>>)
      tpu.yield
    }) : () -> ()
    return
  }
}

</mosaic_0001>

<sc_bundles>
// kernel: kernel.3.cloned.1.call-start
scs
__scs_entry_jumppad:
0x0: {  	(pc) =	sbr.rel $0x88, $3  }
0x1: {  	(tag) =	ssettag $0x0;
	lr =	simm.s32 $0x1  }
0x2: {  	[smem:$0x3F9E] =	sst lr;
	_ =	strace $0xD0000000  }
0x3: {  	_ = 	snop  }
0x4: {  	_ = 	snop  }
0x5: {  	_ = 	snop  }
0x6: {  	_ = 	snop  }
0x7: {  	_ = 	snop  }
__scs_overlays_trampoline_lowered:
0x8: {  	[smem:$0x3FAD] =	sst s0  }
0x9: {  	[smem:$0x3FAE] =	sst s1  }
0xa: {  	[smem:$0x3FAF] =	sst s2  }
0xb: {  	[smem:$0x3FB0] =	sst s3  }
0xc: {  	[smem:$0x3FB1] =	sst s4  }
0xd: {  	[smem:$0x3FB2] =	sst s5  }
0xe: {  	[smem:$0x3FB3] =	sst s6  }
0xf: {  	[smem:$0x3FB4] =	sst s7  }
0x10: {  	[smem:$0x3FB5] =	sst s8  }
0x11: {  	[smem:$0x3FB6] =	sst s9;
	s0 =	simm.s32 @!p0 $0x0  }
0x12: {  	s1 =	sld [smem:$0x3F9C];
	s0 =	simm.s32 @p0 $0x1  }
0x13: {  	[smem:$0x3FB7] =	sst s0;
	s0 =	simm.s32 @!p1 $0x0  }
0x14: {  	s2 =	sld [smem:$0x3F9B];
	s0 =	simm.s32 @p1 $0x1  }
0x15: {  	[smem:$0x3FB8] =	sst s0;
	s0 =	simm.s32 @!p2 $0x0  }
0x16: {  	s3 =	sld [smem:$0x3FDB];
	s0 =	simm.s32 @p2 $0x1  }
0x17: {  	s4 =	simm.s32 $0x1BF5;
	[smem:$0x3FBA] =	sst s0  }
0x18: {  	s0 =	sld [smem:$0x3F9D];
	_ =	swait.ge [sflag:s4], $0x0  }
0x19: {  	s7 =	sld [smem:$0x3F9E]  }
0x1a: {  	s8 =	sadd.s32 $0xFFFFE003, lr  }
0x1b: {  	s9 =	sadd.s32 $0xFFFFFEF7, lr;
	s5 =	simm.s32 $0xFFFFFFFF;
	p2 =	slt.u32 s8, $0xFFFFF086  }
0x1c: {  	p1 =	slt.u32 s9, $0xF7A;
	s5 =	simm.s32 @!p2 $0x0  }
0x1d: {  	s5 =	simm.s32 @p1 $0x1;
	p0 =	seq.s32 s7, s2  }
0x1e: {  	s7 =	smul.u32 @!p0 $0xF7A, s2;
	p2 =	seq.s32 @!p0 s5, $0x0  }
0x1f: {  	s9 =	smul.u32 $0xF7A, s1;
	s8 =	simm.s32 @!p0 $0x1BF5;
	p2 =	por !p2, p0  }
0x20: {  	[sflag:s8] =	ssyncset.s32 @!p0 $0xFFFFF086;
	s6 =	sadd.s32 @!p0 s3, s7;
	s7 =	simm.s32 @!p0 $0x108  }
0x21: {  	s3 =	sadd.s32 s3, s9;
	s6 =	sadd.s32 @!p0 $0x88, s6;
	s7 =	simm.s32 @p2 $0x1082  }
0x22: {  	[simem:s7], [sflag:s8] =	dma.local @!p0 [hbm:s6], $0xF7A  }
0x23: {  	s9 =	sor.u32 $0xD0000000, s2;
	s6 =	simm.s32 $0x108;
	_ =	swait.ge @!p0 [sflag:s8], $0x0  }
0x24: {  	s3 =	sadd.s32 $0x88, s3;
	s6 =	simm.s32 @!p1 $0x1082;
	[sflag:s4] =	ssyncset.s32 $0xFFFFF086  }
0x25: {  	[simem:s6], [sflag:s4] =	dma.local [hbm:s3], $0xF7A  }
0x26: {  	[smem:$0x3F9E] =	sst s1;
	(tag) =	ssettag s2;
	_ =	strace s9  }
0x27: {  	s1 =	sld [smem:$0x3FAE]  }
0x28: {  	s2 =	sld [smem:$0x3FAF]  }
0x29: {  	s4 =	sld [smem:$0x3FB1]  }
0x2a: {  	p0 =	seq.s32 s5, $0x0;
	s5 =	sld [smem:$0x3FB2]  }
0x2b: {  	s6 =	sld [smem:$0x3FB3]  }
0x2c: {  	s7 =	sld [smem:$0x3FB4]  }
0x2d: {  	s3 =	simm.s32 $0x108;
	s8 =	sld [smem:$0x3FB5]  }
0x2e: {  	s3 =	simm.s32 @!p0 $0x1082;
	s9 =	sld [smem:$0x3FB6]  }
0x2f: {  	lr =	sadd.s32 s0, s3;
	s0 =	sld [smem:$0x3FAD]  }
0x30: {  	s3 =	sld [smem:$0x3FB0]  }
0x31: {  	[smem:$0x3FB9] =	sst s10  }
0x32: {  	s10 =	sld [smem:$0x3FB7];
	_ =	sdelay $0x3  }
0x33: {  	p0 =	seq.s32 s10, $0x1;
	s10 =	sld [smem:$0x3FB9];
	_ =	sdelay $0x3  }
0x34: {  	[smem:$0x3FB9] =	sst s10  }
0x35: {  	s10 =	sld [smem:$0x3FB8];
	_ =	sdelay $0x3  }
0x36: {  	p1 =	seq.s32 s10, $0x1;
	s10 =	sld [smem:$0x3FB9];
	_ =	sdelay $0x3  }
0x37: {  	[smem:$0x3FB9] =	sst s10  }
0x38: {  	s10 =	sld [smem:$0x3FBA]  }
0x39: {  	_ = 	snop;
	(pc) =	sbr.ind lr, $3  }
0x3a: {  	_ = 	snop  }
0x3b: {  	_ = 	snop  }
0x3c: {  	p2 =	seq.s32 s10, $0x1;
	s10 =	sld [smem:$0x3FB9]  }
0x3d: {  	_ =	shalt  }
0x3e: {  	_ =	shalt  }
0x3f: {  	_ =	shalt  }
0x40: {  	_ =	shalt  }
0x41: {  	_ =	shalt  }
0x42: {  	_ =	shalt  }
0x43: {  	_ =	shalt  }
0x44: {  	_ =	shalt  }
0x45: {  	_ =	shalt  }
0x46: {  	_ =	shalt  }
0x47: {  	_ =	shalt  }
0x48: {  	_ =	shalt  }
0x49: {  	_ =	shalt  }
0x4a: {  	_ =	shalt  }
0x4b: {  	_ =	shalt  }
0x4c: {  	_ =	shalt  }
0x4d: {  	_ =	shalt  }
0x4e: {  	_ =	shalt  }
0x4f: {  	_ =	shalt  }
0x50: {  	_ =	shalt  }
0x51: {  	_ =	shalt  }
0x52: {  	_ =	shalt  }
0x53: {  	_ =	shalt  }
0x54: {  	_ =	shalt  }
0x55: {  	_ =	shalt  }
0x56: {  	_ =	shalt  }
0x57: {  	_ =	shalt  }
0x58: {  	_ =	shalt  }
0x59: {  	_ =	shalt  }
0x5a: {  	_ =	shalt  }
0x5b: {  	_ =	shalt  }
0x5c: {  	_ =	shalt  }
0x5d: {  	_ =	shalt  }
0x5e: {  	_ =	shalt  }
0x5f: {  	_ =	shalt  }
0x60: {  	_ =	shalt  }
0x61: {  	_ =	shalt  }
0x62: {  	_ =	shalt  }
0x63: {  	_ =	shalt  }
0x64: {  	_ =	shalt  }
0x65: {  	_ =	shalt  }
0x66: {  	_ =	shalt  }
0x67: {  	_ =	shalt  }
0x68: {  	_ =	shalt  }
0x69: {  	_ =	shalt  }
0x6a: {  	_ =	shalt  }
0x6b: {  	_ =	shalt  }
0x6c: {  	_ =	shalt  }
0x6d: {  	_ =	shalt  }
0x6e: {  	_ =	shalt  }
0x6f: {  	_ =	shalt  }
0x70: {  	_ =	shalt  }
0x71: {  	_ =	shalt  }
0x72: {  	_ =	shalt  }
0x73: {  	_ =	shalt  }
0x74: {  	_ =	shalt  }
0x75: {  	_ =	shalt  }
0x76: {  	_ =	shalt  }
0x77: {  	_ =	shalt  }
0x78: {  	_ =	shalt  }
0x79: {  	_ =	shalt  }
0x7a: {  	_ =	shalt  }
0x7b: {  	_ =	shalt  }
0x7c: {  	_ =	shalt  }
0x7d: {  	_ =	shalt  }
0x7e: {  	_ =	shalt  }
0x7f: {  	_ =	shalt  }
0x80: {  	_ =	shalt  }
0x81: {  	_ =	shalt  }
0x82: {  	_ =	shalt  }
0x83: {  	_ =	shalt  }
0x84: {  	_ =	shalt  }
0x85: {  	_ =	shalt  }
0x86: {  	_ =	shalt  }
0x87: {  	_ =	shalt  }
.Lfunc_end0:
.L_simem_size_0:
called_computation_lowered:
.L_overlay_start_0:
0x88: {  	s2 =	sld [smem:$0x3FD9]  }
0x89: {  	s3 =	sld [smem:$0x3FFE];
	_ =	sdelay $0x1  }
0x8a: {  	s1 =	srdreg.scid  }
0x8b: {  	s0 =	sand.u32 $0x1, s1  }
0x8c: {  	s17 =	sshll.u32 s0, $0xA;
	s2 =	sadd.s32 s3, s2  }
0x8d: {  	s2 =	sadd.s32 s2, s17  }
0x8e: {  	[smem:$0x3FC5] =	sst s2  }
0x8f: {  	_ = 	snop  }
0x90: {  	s2 =	sld [smem:$0x3FD0];
	(tm) =	ssettm $0x1  }
0x91: {  	s18 =	sld [smem:$0x3FFB];
	_ =	sdelay $0x3  }
0x92: {  	_ =	strace s18  }
0x93: {  	s3 =	sld [smem:$0x3FFC];
	_ =	sdelay $0x3  }
0x94: {  	_ =	strace s3  }
0x95: {  	s3 =	sld [smem:$0x3FFD];
	_ =	sdelay $0x3  }
0x96: {  	_ =	strace s3  }
0x97: {  	_ =	strace $0x8FFFFFFF  }
0x98: {  	s19 =	sld [smem:$0x3FDB];
	_ =	sdelay $0x1  }
0x99: {  	s4 =	simm.s32 $_scs_section_size  }
0x9a: {  	s5 =	simm.s32 $_size__tile_overlayer_lowered;
	s6 =	simm.s32 $_tile_overlayer_lowered  }
0x9b: {  	s22 =	simm.s32 $0x1BFF;
	s21 =	sshll.u32 s6, $0x1;
	s3 =	sadd.s32 s4, s19  }
0x9c: {  	s7 =	simm.s32 $0x0;
	s20 =	sshll.u32 s5, $0x1;
	s5 =	sadd.s32 s21, s3  }
0x9d: {  	[timem:s7], [sflag:s22] =	dma.local [hbm:s5], s20  }
0x9e: {  	_ =	swait.ge [sflag:s22], s20  }
0x9f: {  	s4 =	ssub.s32 $0x0, s20;
	[sflag:s22] =	ssyncset.done $0x0  }
0xa0: {  	[sflag:s22] =	ssyncadd.s32 s4;
	_ =	sdelay $0x1  }
0xa1: {  	s23 =	simm.s32 $0x1B8B  }
0xa2: {  	_ =	swait.ge [sflag:s23], $0x1  }
0xa3: {  	[sflag:s23] =	ssyncset.done $0x0  }
0xa4: {  	s25 =	simm.s32 $0x1B8E;
	s24 =	sld [smem:$0x3FFE];
	[sflag:s23] =	ssyncadd.s32 $0xFFFFFFFF  }
0xa5: {  	s26 =	simm.s32 $execute0_lowered;
	[smem:$0x3FD2] =	sst s25  }
0xa6: {  	s5 =	sshll.u32 s26, $0x1;
	_ =	strace $0x80000046;
	[dreg:$0x1] =	wrdreg $0xFFFFFFFF  }
0xa7: {  	s28 =	simm.s32 $_size_execute0_lowered;
	s3 =	sadd.s32 s3, s5;
	[dreg:$0x0] =	wrdreg $0x0  }
0xa8: {  	s5 =	sshll.u32 s28, $0x1;
	[dreg:$0x2] =	wrdreg s3  }
0xa9: {  	[dreg:$0x3] =	wrdreg s5  }
0xaa: {  	[dreg:$0x4] =	wrdreg $0xC0  }
0xab: {  	_ =	task [dreg:s7], $0x5FFFF  }
0xac: {  	[dreg:$0x1] =	wrdreg $0xFFFFFFFF  }
0xad: {  	[dreg:$0x0] =	wrdreg $0x60  }
0xae: {  	[dreg:$0x2] =	wrdreg s24  }
0xaf: {  	[dreg:$0x3] =	wrdreg s2  }
0xb0: {  	[dreg:$0x4] =	wrdreg $0x9  }
0xb1: {  	_ =	task.clear_ibuf [dreg:s7], $0x5FFFF;
	_ =	strace $0x90000046  }
0xb2: {  	s29 =	simm.s32 $0x9;
	_ =	strace $0x80000048  }
0xb3: {  	_ =	swait.ge [sflag:s29], $0x1  }
0xb4: {  	[sflag:s29] =	ssyncadd.s32 $0xFFFFFFFF  }
0xb5: {  	_ =	strace $0x90000048  }
0xb6: {  	_ =	sfence  }
0xb7: {  	s30 =	sld [smem:$0x0];
	_ =	sdelay $0x2  }
0xb8: {  	s31 =	sshll.u32 s1, $0xD;
	s1 =	sshrl.u32 s1, $0x2  }
0xb9: {  	s3 =	sand.u32 $0x4000, s31;
	s1 =	sadd.s32 s1, s30  }
0xba: {  	s0 =	sor.u32 s3, s0;
	s1 =	sshll.u32 s1, $0x11  }
0xbb: {  	s0 =	sor.u32 s1, s0  }
0xbc: {  	s0 =	sadd.s32 $0x8F2B, s0  }
0xbd: {  	[sflag:s0] =	ssyncadd.remote.s32 $0x1  }
0xbe: {  	_ =	sfence.sel $0xFFFF  }
0xbf: {  	[dreg:$0x0] =	wrdreg $0xFFFFFFFF;
	(pc) =	sbr.abs _section_cstart, $3  }
0xc0: {  	[dreg:$0x1] =	wrdreg $0xFFFFFFFF  }
0xc1: {  	_ =	task.clear_ibuf [dreg:s7], $0x2FFFF;
	_ =	strace $0x9FFFFFFF  }
0xc2: {  	(tm) =	ssettm $0x7FFFFFFF  }
0xc3: {  	_ =	shalt  }
tec
execute0_lowered:
.L_overlay_start_1:
0x0: {  	(tag) =	ssettag $0x1  }
0x1: {  	s0 =	rddreg [dreg:$0x0]  }
0x2: {  	s3 =	srdreg.scid;
	s4 =	stileid.u32;
	s2 =	simm.s32 $0x0  }
0x3: {  	s3 =	sand.u32 $0x1, s3;
	s4 =	sshll.u32 s4, $0x1;
	[smem:$0x7FF] =	sst s2  }
0x4: {  	s1 =	rddreg [dreg:$0x1];
	s5 =	sor.u32 s3, s4;
	_ =	strace $0x80000047  }
0x5: {  	s6 =	ssub.s32 $0x2, s3;
	s4 =	sshll.u32 s5, $0x6;
	s5 =	sshll.u32 s5, $0xA  }
0x6: {  	s3 =	sadd.s32 $0xF43A00, s0;
	s7 =	sadd.s32 s4, s0;
	s1 =	sadd.s32 s1, s5  }
0x7: {  	s8 =	sshrl.u32 s6, $0x1;
	s30 =	sadd.s32 $0xE00, s7;
	[dreg:$0xe] =	wrdreg s1  }
0x8: {  	s29 =	ssub.s32 s6, s8;
	s31 =	sadd.s32 $0x600, s7;
	[dreg:$0xc] =	wrdreg s30  }
0x9: {  	s4 =	sadd.s32 $0x112C000, s0;
	s0 =	smax.u32 s29, $0x1;
	[dreg:$0xd] =	wrdreg s31  }
0xa: {  	s5 =	simm.s32 $0x3;
	s1 =	simm.s32 $0x0;
	[dreg:$0xf] =	wrdreg s0  }
.LBB2_1:
0xb: {  	[dreg:$0x10] =	wrdreg s1  }
0xc: {  	s0 =	rddreg [dreg:$0xc]  }
0xd: {  	[tilespmem:s2], [sflag:$0x3] =	stream.linear.gather [hbm4b:s0+s2], $0x200, $0x38;
	[tilespmem:$0x4400] =	vst v63  }
0xe: {  	_ =	swait.ge [sflag:s5], $0x200  }
0xf: {  	[sflag:s5] =	ssyncset.done $0x0  }
0x10: {  	s21 =	simm.s32 $0x200;
	s22 =	rddreg [dreg:$0xd];
	[sflag:s5] =	ssyncadd.s32 $0xFFFFFE00  }
0x11: {  	[tilespmem:s21], [sflag:$0x3] =	stream.linear.gather [hbm4b:s22+s2], $0x200, $0x38;
	[tilespmem:$0x4400] =	vst v63  }
0x12: {  	_ =	swait.ge [sflag:s5], $0x200  }
0x13: {  	[sflag:s5] =	ssyncset.done $0x0  }
0x14: {  	[sflag:s5] =	ssyncadd.s32 $0xFFFFFE00  }
0x15: {  	v0 =	vld [tilespmem:s2+$0x0]  }
0x16: {  	v2 =	vld [tilespmem:s21+$0x0];
	_ =	sdelay $0x3  }
0x17: {  	v1 =	vshll.u32 v0, $0x1  }
0x18: {  	v63 =	vshll.u32 v2, $0x1;
	(v2sf) =	vpush v1, $0x0  }
0x19: {  	(v2sf) =	vpush v63, $0x0  }
0x1a: {  	(v2sf) =	vpush v1, $0x1;
	_ =	sdelay $0x2  }
0x1b: {  	(v2sf) =	vpush v63, $0x1;
	_ =	sdelay $0x1  }
0x1c: {  	(v2sf) =	vpush v1, $0x2;
	_ =	sdelay $0x1  }
0x1d: {  	(v2sf) =	vpush v63, $0x2;
	_ =	sdelay $0x1  }
0x1e: {  	s15 =	simm.s32 $0x400;
	(v2sf) =	vpush v1, $0x3  }
0x1f: {  	s14 =	simm.s32 $0x0;
	s6 =	simm.s32 $0x2400;
	s1 =	simm.s32 $0x490  }
0x20: {  	s7 =	simm.s32 $0x400;
	s9 =	simm.s32 $0x440;
	s10 =	simm.s32 $0x430  }
0x21: {  	s25 =	simm.s32 $0x410;
	s29 =	simm.s32 $0x2410;
	s17 =	simm.s32 $0x2420  }
0x22: {  	s31 =	simm.s32 $0x4D0;
	s0 =	simm.s32 $0x24A0;
	s8 =	spop (v2sf);
	(v2sf) =	vpush v63, $0x3  }
0x23: {  	s22 =	simm.s32 $0x2440;
	s8 =	sand.u32 $0x1FFFFFFE, s8;
	s11 =	spop (v2sf)  }
0x24: {  	s5 =	simm.s32 $0x450;
	(v2sf) =	vpush v1, $0x4;
	s8 =	sadd.s32 s3, s8;
	s24 =	spop (v2sf)  }
0x25: {  	(v2sf) =	vpush v63, $0x4;
	[tilespmem:s7], [sflag:$0x1] =	stream.linear.gather [hbm4b:s8+s2], $0x10, $0x38;
	[tilespmem:$0x4400] =	vst v63  }
0x26: {  	s23 =	sand.u32 $0x1FFFFFFE, s11;
	s7 =	simm.s32 $0x2430;
	s11 =	sand.u32 $0x1FFFFFFE, s24  }
0x27: {  	s8 =	sadd.s32 s4, s23;
	s12 =	spop (v2sf);
	(v2sf) =	vpush v1, $0x5;
	s26 =	sadd.s32 s3, s11  }
0x28: {  	(v2sf) =	vpush v63, $0x5;
	[tilespmem:s6], [sflag:$0x2] =	stream.linear.gather [hbm4b:s8+s2], $0x10, $0x38;
	[tilespmem:$0x4400] =	vst v63  }
0x29: {  	s28 =	sand.u32 $0x1FFFFFFE, s12;
	s30 =	spop (v2sf);
	s12 =	simm.s32 $0x420  }
0x2a: {  	(v2sf) =	vpush v1, $0x6;
	[tilespmem:s25], [sflag:$0x1] =	stream.linear.gather [hbm4b:s26+s2], $0x10, $0x38;
	[tilespmem:$0x4400] =	vst v63  }
0x2b: {  	s11 =	sadd.s32 s4, s28;
	s8 =	sand.u32 $0x1FFFFFFE, s30;
	s13 =	spop (v2sf)  }
0x2c: {  	[tilespmem:s29], [sflag:$0x2] =	stream.linear.gather [hbm4b:s11+s2], $0x10, $0x38;
	[tilespmem:$0x4400] =	vst v63  }
0x2d: {  	s8 =	sadd.s32 s3, s8;
	s16 =	spop (v2sf);
	s11 =	sand.u32 $0x1FFFFFFE, s13  }
0x2e: {  	(v2sf) =	vpush v63, $0x6;
	[tilespmem:s12], [sflag:$0x1] =	stream.linear.gather [hbm4b:s8+s2], $0x10, $0x38;
	[tilespmem:$0x4400] =	vst v63  }
0x2f: {  	s28 =	simm.s32 $0x2450;
	s19 =	sand.u32 $0x1FFFFFFE, s16;
	s18 =	sadd.s32 s4, s11  }
0x30: {  	[tilespmem:s17], [sflag:$0x2] =	stream.linear.gather [hbm4b:s18+s2], $0x10, $0x38;
	[tilespmem:$0x4400] =	vst v63  }
0x31: {  	s30 =	simm.s32 $0x460;
	s21 =	sadd.s32 s3, s19;
	s20 =	spop (v2sf)  }
0x32: {  	(v2sf) =	vpush v1, $0x7;
	[tilespmem:s10], [sflag:$0x1] =	stream.linear.gather [hbm4b:s21+s2], $0x10, $0x38;
	[tilespmem:$0x4400] =	vst v63  }
0x33: {  	s19 =	simm.s32 $0x2460;
	s6 =	sand.u32 $0x1FFFFFFE, s20;
	s23 =	spop (v2sf)  }
0x34: {  	s12 =	simm.s32 $0x24C0;
	(v2sf) =	vpush v63, $0x7;
	s6 =	sadd.s32 s4, s6;
	s24 =	spop (v2sf)  }
0x35: {  	(v2sf) =	vpush v1, $0x8;
	[tilespmem:s7], [sflag:$0x2] =	stream.linear.gather [hbm4b:s6+s2], $0x10, $0x38;
	[tilespmem:$0x4400] =	vst v63  }
0x36: {  	s10 =	sand.u32 $0x1FFFFFFE, s23;
	s26 =	sand.u32 $0x1FFFFFFE, s24;
	s29 =	spop (v2sf)  }
0x37: {  	s25 =	sadd.s32 s3, s10;
	(v2sf) =	vpush v63, $0x8;
	s7 =	sadd.s32 s4, s26;
	s10 =	spop (v2sf)  }
0x38: {  	(v2sf) =	vpush v1, $0x9;
	[tilespmem:s9], [sflag:$0x1] =	stream.linear.gather [hbm4b:s25+s2], $0x10, $0x38;
	[tilespmem:$0x4400] =	vst v63  }
0x39: {  	s9 =	sand.u32 $0x1FFFFFFE, s29;
	s11 =	spop (v2sf);
	s25 =	simm.s32 $0x2470  }
0x3a: {  	(v2sf) =	vpush v63, $0x9;
	[tilespmem:s22], [sflag:$0x2] =	stream.linear.gather [hbm4b:s7+s2], $0x10, $0x38;
	[tilespmem:$0x4400] =	vst v63  }
0x3b: {  	s8 =	sadd.s32 s3, s9;
	s9 =	sand.u32 $0x1FFFFFFE, s10;
	s16 =	sand.u32 $0x1FFFFFFE, s11;
	(v2sf) =	vpush v1, $0xA  }
0x3c: {  	[tilespmem:s5], [sflag:$0x1] =	stream.linear.gather [hbm4b:s8+s2], $0x10, $0x38;
	[tilespmem:$0x4400] =	vst v63  }
0x3d: {  	s10 =	simm.s32 $0x24D0;
	s17 =	spop (v2sf);
	s13 =	sadd.s32 s4, s9;
	(v2sf) =	vpush v63, $0xA  }
0x3e: {  	[tilespmem:s28], [sflag:$0x2] =	stream.linear.gather [hbm4b:s13+s2], $0x10, $0x38;
	[tilespmem:$0x4400] =	vst v63  }
0x3f: {  	s11 =	simm.s32 $0x2490;
	s18 =	sadd.s32 s3, s16;
	s6 =	sand.u32 $0x1FFFFFFE, s17  }
0x40: {  	[tilespmem:s30], [sflag:$0x1] =	stream.linear.gather [hbm4b:s18+s2], $0x10, $0x38;
	[tilespmem:$0x4400] =	vst v63  }
0x41: {  	s22 =	simm.s32 $0x470;
	s6 =	sadd.s32 s4, s6;
	s20 =	spop (v2sf)  }
0x42: {  	[tilespmem:s19], [sflag:$0x2] =	stream.linear.gather [hbm4b:s6+s2], $0x10, $0x38;
	[tilespmem:$0x4400] =	vst v63  }
0x43: {  	s16 =	simm.s32 $0x4A0;
	(v2sf) =	vpush v1, $0xB;
	s8 =	sand.u32 $0x1FFFFFFE, s20;
	s21 =	spop (v2sf)  }
0x44: {  	s5 =	simm.s32 $0x24B0;
	s23 =	sadd.s32 s3, s8;
	s26 =	spop (v2sf)  }
0x45: {  	(v2sf) =	vpush v63, $0xB;
	[tilespmem:s22], [sflag:$0x1] =	stream.linear.gather [hbm4b:s23+s2], $0x10, $0x38;
	[tilespmem:$0x4400] =	vst v63  }
0x46: {  	s28 =	simm.s32 $0x480;
	s24 =	sand.u32 $0x1FFFFFFE, s21;
	s29 =	spop (v2sf)  }
0x47: {  	s8 =	sadd.s32 s4, s24;
	s7 =	sand.u32 $0x1FFFFFFE, s26;
	s30 =	spop (v2sf)  }
0x48: {  	(v2sf) =	vpush v1, $0xC;
	[tilespmem:s25], [sflag:$0x2] =	stream.linear.gather [hbm4b:s8+s2], $0x10, $0x38;
	[tilespmem:$0x4400] =	vst v63  }
0x49: {  	s7 =	sadd.s32 s3, s7;
	s8 =	sand.u32 $0x1FFFFFFE, s29;
	s13 =	spop (v2sf)  }
0x4a: {  	(v2sf) =	vpush v63, $0xC;
	s9 =	sand.u32 $0x1FFFFFFE, s30;
	s25 =	simm.s32 $0x4B0;
	s17 =	spop (v2sf)  }
0x4b: {  	[tilespmem:s28], [sflag:$0x1] =	stream.linear.gather [hbm4b:s7+s2], $0x10, $0x38;
	[tilespmem:$0x4400] =	vst v63  }
0x4c: {  	s8 =	sadd.s32 s4, s8;
	s7 =	simm.s32 $0x2480;
	s18 =	spop (v2sf)  }
0x4d: {  	[tilespmem:s7], [sflag:$0x2] =	stream.linear.gather [hbm4b:s8+s2], $0x10, $0x38;
	[tilespmem:$0x4400] =	vst v63  }
0x4e: {  	s20 =	sand.u32 $0x1FFFFFFE, s18;
	s8 =	sadd.s32 s3, s9;
	s7 =	sand.u32 $0x1FFFFFFE, s13  }
0x4f: {  	[tilespmem:s1], [sflag:$0x1] =	stream.linear.gather [hbm4b:s8+s2], $0x10, $0x38;
	[tilespmem:$0x4400] =	vst v63  }
0x50: {  	s22 =	sadd.s32 s4, s20;
	s7 =	sadd.s32 s4, s7;
	s8 =	sand.u32 $0x1FFFFFFE, s17  }
0x51: {  	[tilespmem:s11], [sflag:$0x2] =	stream.linear.gather [hbm4b:s7+s2], $0x10, $0x38;
	[tilespmem:$0x4400] =	vst v63  }
0x52: {  	s20 =	simm.s32 $0x210;
	s19 =	sadd.s32 s3, s8;
	s21 =	spop (v2sf)  }
0x53: {  	[tilespmem:s16], [sflag:$0x1] =	stream.linear.gather [hbm4b:s19+s2], $0x10, $0x38;
	[tilespmem:$0x4400] =	vst v63  }
0x54: {  	s19 =	simm.s32 $0x10;
	s23 =	sand.u32 $0x1FFFFFFE, s21;
	s24 =	spop (v2sf)  }
0x55: {  	(v2sf) =	vpush v1, $0xD;
	[tilespmem:s0], [sflag:$0x2] =	stream.linear.gather [hbm4b:s22+s2], $0x10, $0x38;
	[tilespmem:$0x4400] =	vst v63  }
0x56: {  	(v2sf) =	vpush v63, $0xD;
	s21 =	simm.s32 $0x24E0;
	s26 =	sadd.s32 s3, s23;
	s28 =	sand.u32 $0x1FFFFFFE, s24  }
0x57: {  	s23 =	simm.s32 $0x4C0;
	(v2sf) =	vpush v1, $0xE;
	s22 =	simm.s32 $0x4E0;
	s30 =	spop (v2sf)  }
0x58: {  	(v2sf) =	vpush v63, $0xE;
	[tilespmem:s25], [sflag:$0x1] =	stream.linear.gather [hbm4b:s26+s2], $0x10, $0x38;
	[tilespmem:$0x4400] =	vst v63  }
0x59: {  	s29 =	sadd.s32 s4, s28;
	(v2sf) =	vpush v1, $0xF;
	s0 =	sand.u32 $0x1FFFFFFE, s30;
	s1 =	spop (v2sf)  }
0x5a: {  	(v2sf) =	vpush v63, $0xF;
	[tilespmem:s5], [sflag:$0x2] =	stream.linear.gather [hbm4b:s29+s2], $0x10, $0x38;
	[tilespmem:$0x4400] =	vst v63  }
.LBB2_2:
0x5b: {  	_ =	sdelay $0x4  }
0x5c: {  	s0 =	sadd.s32 s3, s0;
	s1 =	sand.u32 $0x1FFFFFFE, s1  }
0x5d: {  	[tilespmem:s23], [sflag:$0x1] =	stream.linear.gather [hbm4b:s0+s2], $0x10, $0x38;
	[tilespmem:$0x4400] =	vst v63  }
0x5e: {  	s28 =	sadd.s32 s4, s1  }
0x5f: {  	[tilespmem:s12], [sflag:$0x2] =	stream.linear.gather [hbm4b:s28+s2], $0x10, $0x38;
	[tilespmem:$0x4400] =	vst v63  }
0x60: {  	s5 =	spop (v2sf)  }
0x61: {  	s29 =	sand.u32 $0x1FFFFFFE, s5;
	s30 =	spop (v2sf)  }
0x62: {  	s1 =	sadd.s32 s3, s29;
	s5 =	sand.u32 $0x1FFFFFFE, s30;
	s6 =	spop (v2sf)  }
0x63: {  	[tilespmem:s31], [sflag:$0x1] =	stream.linear.gather [hbm4b:s1+s2], $0x10, $0x38;
	[tilespmem:$0x4400] =	vst v63  }
0x64: {  	s7 =	sadd.s32 s4, s5;
	s8 =	sand.u32 $0x1FFFFFFE, s6;
	s9 =	spop (v2sf)  }
0x65: {  	[tilespmem:s10], [sflag:$0x2] =	stream.linear.gather [hbm4b:s7+s2], $0x10, $0x38;
	[tilespmem:$0x4400] =	vst v63  }
0x66: {  	s11 =	sand.u32 $0x1FFFFFFE, s9;
	s12 =	spop (v2sf);
	s10 =	sadd.s32 s3, s8  }
0x67: {  	[tilespmem:s22], [sflag:$0x1] =	stream.linear.gather [hbm4b:s10+s2], $0x10, $0x38;
	[tilespmem:$0x4400] =	vst v63  }
0x68: {  	s13 =	sadd.s32 s4, s11;
	s16 =	sand.u32 $0x1FFFFFFE, s12;
	s17 =	spop (v2sf)  }
0x69: {  	[tilespmem:s21], [sflag:$0x2] =	stream.linear.gather [hbm4b:s13+s2], $0x10, $0x38;
	[tilespmem:$0x4400] =	vst v63  }
0x6a: {  	s18 =	sadd.s32 $0x4F0, s14;
	s1 =	sadd.s32 s3, s16;
	s5 =	sand.u32 $0x1FFFFFFE, s17  }
0x6b: {  	[tilespmem:s18], [sflag:$0x1] =	stream.linear.gather [hbm4b:s1+s2], $0x10, $0x38;
	[tilespmem:$0x4400] =	vst v63  }
0x6c: {  	s22 =	sadd.s32 s4, s5;
	s21 =	sadd.s32 $0x24F0, s14  }
0x6d: {  	[tilespmem:s21], [sflag:$0x2] =	stream.linear.gather [hbm4b:s22+s2], $0x10, $0x38;
	[tilespmem:$0x4400] =	vst v63  }
0x6e: {  	v0 =	vld [tilespmem:s19+$0x0]  }
0x6f: {  	v2 =	vld [tilespmem:s20+$0x0];
	_ =	sdelay $0x3  }
0x70: {  	v1 =	vshll.u32 v0, $0x1  }
0x71: {  	s23 =	smov.u32 s15;
	v63 =	vshll.u32 v2, $0x1;
	(v2sf) =	vpush v1, $0x0  }
0x72: {  	s14 =	sshra.s32 s23, $0x2;
	(v2sf) =	vpush v63, $0x0  }
0x73: {  	p0 =	sne.s32 s15, $0x7C00;
	s15 =	sadd.s32 $0x400, s15;
	s25 =	sadd.s32 $0x2400, s14;
	(v2sf) =	vpush v1, $0x1  }
0x74: {  	s0 =	sadd.s32 $0x490, s14;
	s28 =	sadd.s32 $0x400, s14;
	s10 =	sadd.s32 $0x440, s14  }
0x75: {  	s24 =	sadd.s32 $0x24A0, s14;
	s13 =	sadd.s32 $0x430, s14;
	s9 =	sadd.s32 $0x2430, s14;
	(v2sf) =	vpush v63, $0x1  }
0x76: {  	s26 =	sadd.s32 $0x24C0, s14;
	s11 =	sadd.s32 $0x2440, s14;
	s31 =	sadd.s32 $0x4D0, s14  }
0x77: {  	s16 =	sadd.s32 $0x2420, s14;
	s8 =	sadd.s32 $0x2450, s14;
	[dreg:$0x5] =	wrdreg s0;
	(v2sf) =	vpush v1, $0x2  }
0x78: {  	s7 =	sadd.s32 $0x460, s14;
	s29 =	sadd.s32 $0x24B0, s14;
	[dreg:$0x3] =	wrdreg s24  }
0x79: {  	s6 =	sadd.s32 $0x2460, s14;
	s30 =	sadd.s32 $0x2490, s14;
	[dreg:$0x9] =	wrdreg s26;
	(v2sf) =	vpush v63, $0x2  }
0x7a: {  	s12 =	sadd.s32 $0x4A0, s14;
	s5 =	sadd.s32 $0x470, s14;
	[dreg:$0x4] =	wrdreg s29  }
0x7b: {  	s17 =	sadd.s32 $0x2480, s14;
	s23 =	sadd.s32 $0x4C0, s14;
	[dreg:$0x7] =	wrdreg s30;
	(v2sf) =	vpush v1, $0x3  }
0x7c: {  	s1 =	sadd.s32 $0x450, s14;
	s24 =	sadd.s32 $0x420, s14;
	[dreg:$0x6] =	wrdreg s12  }
0x7d: {  	s26 =	sadd.s32 $0x2410, s14;
	[dreg:$0xa] =	wrdreg s17;
	s17 =	sadd.s32 $0x480, s14;
	(v2sf) =	vpush v63, $0x3  }
0x7e: {  	s0 =	sadd.s32 $0x24D0, s14;
	s18 =	sadd.s32 $0x4B0, s14;
	[dreg:$0xb] =	wrdreg s17  }
0x7f: {  	s29 =	sadd.s32 $0x410, s14;
	s12 =	sadd.s32 $0x2470, s14;
	[dreg:$0x8] =	wrdreg s18;
	(v2sf) =	vpush v1, $0x4  }
0x80: {  	s22 =	sadd.s32 $0x4E0, s14;
	s21 =	sadd.s32 $0x24E0, s14;
	s30 =	spop (v2sf)  }
0x81: {  	s19 =	sadd.s32 $0x10, s19;
	s30 =	sand.u32 $0x1FFFFFFE, s30;
	s18 =	spop (v2sf);
	(v2sf) =	vpush v63, $0x4  }
0x82: {  	s30 =	sadd.s32 s3, s30;
	s17 =	sand.u32 $0x1FFFFFFE, s18;
	s18 =	spop (v2sf)  }
0x83: {  	(v2sf) =	vpush v1, $0x5;
	[tilespmem:s28], [sflag:$0x1] =	stream.linear.gather [hbm4b:s30+s2], $0x10, $0x38;
	[tilespmem:$0x4400] =	vst v63  }
0x84: {  	s17 =	sadd.s32 s4, s17;
	s18 =	sand.u32 $0x1FFFFFFE, s18;
	s30 =	spop (v2sf);
	(v2sf) =	vpush v63, $0x5  }
0x85: {  	[tilespmem:s25], [sflag:$0x2] =	stream.linear.gather [hbm4b:s17+s2], $0x10, $0x38;
	[tilespmem:$0x4400] =	vst v63  }
0x86: {  	s28 =	sand.u32 $0x1FFFFFFE, s30;
	s30 =	spop (v2sf);
	(v2sf) =	vpush v1, $0x6;
	s25 =	sadd.s32 s3, s18  }
0x87: {  	[tilespmem:s29], [sflag:$0x1] =	stream.linear.gather [hbm4b:s25+s2], $0x10, $0x38;
	[tilespmem:$0x4400] =	vst v63  }
0x88: {  	s28 =	sadd.s32 s4, s28;
	s29 =	sand.u32 $0x1FFFFFFE, s30;
	s30 =	spop (v2sf);
	(v2sf) =	vpush v63, $0x6  }
0x89: {  	[tilespmem:s26], [sflag:$0x2] =	stream.linear.gather [hbm4b:s28+s2], $0x10, $0x38;
	[tilespmem:$0x4400] =	vst v63  }
0x8a: {  	s28 =	sadd.s32 s3, s29;
	s29 =	sand.u32 $0x1FFFFFFE, s30;
	s30 =	spop (v2sf)  }
0x8b: {  	(v2sf) =	vpush v1, $0x7;
	[tilespmem:s24], [sflag:$0x1] =	stream.linear.gather [hbm4b:s28+s2], $0x10, $0x38;
	[tilespmem:$0x4400] =	vst v63  }
0x8c: {  	s25 =	sand.u32 $0x1FFFFFFE, s30;
	s26 =	spop (v2sf);
	s24 =	sadd.s32 s4, s29  }
0x8d: {  	(v2sf) =	vpush v63, $0x7;
	[tilespmem:s16], [sflag:$0x2] =	stream.linear.gather [hbm4b:s24+s2], $0x10, $0x38;
	[tilespmem:$0x4400] =	vst v63  }
0x8e: {  	s28 =	sadd.s32 s3, s25;
	s29 =	sand.u32 $0x1FFFFFFE, s26;
	s30 =	spop (v2sf)  }
0x8f: {  	(v2sf) =	vpush v1, $0x8;
	[tilespmem:s13], [sflag:$0x1] =	stream.linear.gather [hbm4b:s28+s2], $0x10, $0x38;
	[tilespmem:$0x4400] =	vst v63  }
0x90: {  	s25 =	sand.u32 $0x1FFFFFFE, s30;
	s24 =	sadd.s32 s4, s29;
	s26 =	spop (v2sf)  }
0x91: {  	[tilespmem:s9], [sflag:$0x2] =	stream.linear.gather [hbm4b:s24+s2], $0x10, $0x38;
	[tilespmem:$0x4400] =	vst v63  }
0x92: {  	s20 =	sadd.s32 $0x10, s20;
	s28 =	sadd.s32 s3, s25;
	s30 =	spop (v2sf)  }
0x93: {  	(v2sf) =	vpush v63, $0x8;
	s29 =	sand.u32 $0x1FFFFFFE, s26;
	s17 =	sand.u32 $0x1FFFFFFE, s30;
	s18 =	spop (v2sf)  }
0x94: {  	(v2sf) =	vpush v1, $0x9;
	[tilespmem:s10], [sflag:$0x1] =	stream.linear.gather [hbm4b:s28+s2], $0x10, $0x38;
	[tilespmem:$0x4400] =	vst v63  }
0x95: {  	s13 =	sadd.s32 s4, s29;
	s24 =	sadd.s32 s3, s17;
	s26 =	spop (v2sf)  }
0x96: {  	(v2sf) =	vpush v63, $0x9;
	[tilespmem:s11], [sflag:$0x2] =	stream.linear.gather [hbm4b:s13+s2], $0x10, $0x38;
	[tilespmem:$0x4400] =	vst v63  }
0x97: {  	s25 =	sand.u32 $0x1FFFFFFE, s18;
	s10 =	smov.u32 s0;
	s30 =	spop (v2sf)  }
0x98: {  	[tilespmem:s1], [sflag:$0x1] =	stream.linear.gather [hbm4b:s24+s2], $0x10, $0x38;
	[tilespmem:$0x4400] =	vst v63  }
0x99: {  	s28 =	sadd.s32 s4, s25;
	s29 =	sand.u32 $0x1FFFFFFE, s26;
	s13 =	sand.u32 $0x1FFFFFFE, s30  }
0x9a: {  	(v2sf) =	vpush v1, $0xA;
	s11 =	sadd.s32 s3, s29;
	s16 =	spop (v2sf);
	s17 =	sadd.s32 s4, s13  }
0x9b: {  	[tilespmem:s8], [sflag:$0x2] =	stream.linear.gather [hbm4b:s28+s2], $0x10, $0x38;
	[tilespmem:$0x4400] =	vst v63  }
0x9c: {  	(v2sf) =	vpush v63, $0xA;
	s18 =	sand.u32 $0x1FFFFFFE, s16;
	s24 =	spop (v2sf);
	s8 =	rddreg [dreg:$0xb]  }
0x9d: {  	[tilespmem:s7], [sflag:$0x1] =	stream.linear.gather [hbm4b:s11+s2], $0x10, $0x38;
	[tilespmem:$0x4400] =	vst v63  }
0x9e: {  	(v2sf) =	vpush v1, $0xB;
	s16 =	rddreg [dreg:$0xa];
	s26 =	sand.u32 $0x1FFFFFFE, s24;
	s28 =	spop (v2sf)  }
0x9f: {  	[tilespmem:s6], [sflag:$0x2] =	stream.linear.gather [hbm4b:s17+s2], $0x10, $0x38;
	[tilespmem:$0x4400] =	vst v63  }
0xa0: {  	s25 =	sadd.s32 s3, s18;
	s29 =	sadd.s32 s4, s26;
	s30 =	sand.u32 $0x1FFFFFFE, s28  }
0xa1: {  	[tilespmem:s5], [sflag:$0x1] =	stream.linear.gather [hbm4b:s25+s2], $0x10, $0x38;
	[tilespmem:$0x4400] =	vst v63  }
0xa2: {  	(v2sf) =	vpush v63, $0xB;
	s0 =	spop (v2sf);
	s5 =	sadd.s32 s3, s30;
	s25 =	rddreg [dreg:$0x5]  }
0xa3: {  	(v2sf) =	vpush v1, $0xC;
	s30 =	rddreg [dreg:$0x7];
	s6 =	sand.u32 $0x1FFFFFFE, s0;
	s7 =	spop (v2sf)  }
0xa4: {  	[tilespmem:s12], [sflag:$0x2] =	stream.linear.gather [hbm4b:s29+s2], $0x10, $0x38;
	[tilespmem:$0x4400] =	vst v63  }
0xa5: {  	(v2sf) =	vpush v63, $0xC;
	s12 =	rddreg [dreg:$0x9];
	s11 =	sand.u32 $0x1FFFFFFE, s7;
	s13 =	spop (v2sf)  }
0xa6: {  	[tilespmem:s8], [sflag:$0x1] =	stream.linear.gather [hbm4b:s5+s2], $0x10, $0x38;
	[tilespmem:$0x4400] =	vst v63  }
0xa7: {  	s9 =	sadd.s32 s4, s6;
	s17 =	sadd.s32 s3, s11;
	s18 =	sand.u32 $0x1FFFFFFE, s13  }
0xa8: {  	[tilespmem:s16], [sflag:$0x2] =	stream.linear.gather [hbm4b:s9+s2], $0x10, $0x38;
	[tilespmem:$0x4400] =	vst v63  }
0xa9: {  	s24 =	spop (v2sf);
	s11 =	rddreg [dreg:$0x6];
	s26 =	sadd.s32 s4, s18  }
0xaa: {  	[tilespmem:s25], [sflag:$0x1] =	stream.linear.gather [hbm4b:s17+s2], $0x10, $0x38;
	[tilespmem:$0x4400] =	vst v63  }
0xab: {  	s28 =	sand.u32 $0x1FFFFFFE, s24;
	s18 =	rddreg [dreg:$0x3];
	s29 =	spop (v2sf)  }
0xac: {  	[tilespmem:s30], [sflag:$0x2] =	stream.linear.gather [hbm4b:s26+s2], $0x10, $0x38;
	[tilespmem:$0x4400] =	vst v63  }
0xad: {  	s7 =	sadd.s32 s3, s28;
	s8 =	sand.u32 $0x1FFFFFFE, s29;
	s9 =	spop (v2sf)  }
0xae: {  	[tilespmem:s11], [sflag:$0x1] =	stream.linear.gather [hbm4b:s7+s2], $0x10, $0x38;
	[tilespmem:$0x4400] =	vst v63  }
0xaf: {  	s28 =	rddreg [dreg:$0x8];
	s13 =	sadd.s32 s4, s8;
	s16 =	sand.u32 $0x1FFFFFFE, s9  }
0xb0: {  	(v2sf) =	vpush v1, $0xD;
	[tilespmem:s18], [sflag:$0x2] =	stream.linear.gather [hbm4b:s13+s2], $0x10, $0x38;
	[tilespmem:$0x4400] =	vst v63  }
.Ltmp0:
0xb1: {  	(v2sf) =	vpush v63, $0xD;
	s17 =	spop (v2sf);
	s24 =	sadd.s32 s3, s16;
	(pc) =	sbr.rel @p0 .LBB2_2-.Ltmp0, $4  }
0xb2: {  	(v2sf) =	vpush v1, $0xE;
	s25 =	sand.u32 $0x1FFFFFFE, s17;
	s26 =	spop (v2sf);
	s30 =	rddreg [dreg:$0x4]  }
0xb3: {  	(v2sf) =	vpush v63, $0xE;
	[tilespmem:s28], [sflag:$0x1] =	stream.linear.gather [hbm4b:s24+s2], $0x10, $0x38;
	[tilespmem:$0x4400] =	vst v63  }
0xb4: {  	(v2sf) =	vpush v1, $0xF;
	s29 =	sadd.s32 s4, s25;
	s0 =	sand.u32 $0x1FFFFFFE, s26;
	s1 =	spop (v2sf)  }
0xb5: {  	(v2sf) =	vpush v63, $0xF;
	[tilespmem:s30], [sflag:$0x2] =	stream.linear.gather [hbm4b:s29+s2], $0x10, $0x38;
	[tilespmem:$0x4400] =	vst v63  }
0xb6: {  	_ =	sdelay $0x4  }
0xb7: {  	s0 =	sadd.s32 s3, s0;
	s1 =	sand.u32 $0x1FFFFFFE, s1  }
0xb8: {  	[tilespmem:s23], [sflag:$0x1] =	stream.linear.gather [hbm4b:s0+s2], $0x10, $0x38;
	[tilespmem:$0x4400] =	vst v63  }
0xb9: {  	s7 =	sadd.s32 s4, s1  }
0xba: {  	[tilespmem:s12], [sflag:$0x2] =	stream.linear.gather [hbm4b:s7+s2], $0x10, $0x38;
	[tilespmem:$0x4400] =	vst v63  }
0xbb: {  	s5 =	spop (v2sf)  }
0xbc: {  	s8 =	sand.u32 $0x1FFFFFFE, s5;
	s9 =	spop (v2sf)  }
0xbd: {  	s11 =	sadd.s32 s3, s8;
	s12 =	sand.u32 $0x1FFFFFFE, s9;
	s13 =	spop (v2sf)  }
0xbe: {  	[tilespmem:s31], [sflag:$0x1] =	stream.linear.gather [hbm4b:s11+s2], $0x10, $0x38;
	[tilespmem:$0x4400] =	vst v63  }
0xbf: {  	s15 =	sadd.s32 s4, s12;
	s16 =	sand.u32 $0x1FFFFFFE, s13;
	s17 =	spop (v2sf)  }
0xc0: {  	[tilespmem:s10], [sflag:$0x2] =	stream.linear.gather [hbm4b:s15+s2], $0x10, $0x38;
	[tilespmem:$0x4400] =	vst v63  }
0xc1: {  	s18 =	sadd.s32 s3, s16;
	s19 =	sand.u32 $0x1FFFFFFE, s17;
	s20 =	spop (v2sf)  }
0xc2: {  	[tilespmem:s22], [sflag:$0x1] =	stream.linear.gather [hbm4b:s18+s2], $0x10, $0x38;
	[tilespmem:$0x4400] =	vst v63  }
0xc3: {  	s23 =	sadd.s32 s4, s19;
	s24 =	sand.u32 $0x1FFFFFFE, s20;
	s25 =	spop (v2sf)  }
0xc4: {  	[tilespmem:s21], [sflag:$0x2] =	stream.linear.gather [hbm4b:s23+s2], $0x10, $0x38;
	[tilespmem:$0x4400] =	vst v63  }
0xc5: {  	s26 =	sadd.s32 $0x4F0, s14;
	s1 =	sadd.s32 s3, s24;
	s5 =	sand.u32 $0x1FFFFFFE, s25  }
0xc6: {  	[tilespmem:s26], [sflag:$0x1] =	stream.linear.gather [hbm4b:s1+s2], $0x10, $0x38;
	[tilespmem:$0x4400] =	vst v63  }
0xc7: {  	s28 =	sadd.s32 $0x24F0, s14;
	s30 =	simm.s32 $0x1;
	s29 =	sadd.s32 s4, s5  }
0xc8: {  	[tilespmem:s28], [sflag:$0x2] =	stream.linear.gather [hbm4b:s29+s2], $0x10, $0x38;
	[tilespmem:$0x4400] =	vst v63  }
0xc9: {  	_ =	swait.ge [sflag:s30], $0x2000  }
0xca: {  	[sflag:s30] =	ssyncset.done $0x0  }
0xcb: {  	s31 =	simm.s32 $0x2;
	[sflag:s30] =	ssyncadd.s32 $0xFFFFE000  }
0xcc: {  	_ =	swait.ge [sflag:s31], $0x2000  }
0xcd: {  	[sflag:s31] =	ssyncset.done $0x0  }
0xce: {  	s0 =	simm.s32 $0x0;
	[sflag:s31] =	ssyncadd.s32 $0xFFFFE000  }
0xcf: {  	s1 =	simm.s32 $0x40;
	v0 =	vld [tilespmem:s0+$0x2400]  }
.LBB2_4:
0xd0: {  	p0 =	sne.s32 s1, $0x7FC0;
	v1 =	vld [tilespmem:s0+$0x400];
	_ =	sdelay $0x2  }
.Ltmp1:
0xd1: {  	(pc) =	sbr.rel @p0 .LBB2_4-.Ltmp1, $4  }
0xd2: {  	_ = 	snop  }
0xd3: {  	v1 =	vmul.f32 v0, v1  }
0xd4: {  	s5 =	sshra.s32 s1, $0x2  }
0xd5: {  	s1 =	sadd.s32 $0x40, s1;
	v0 =	vld [tilespmem:s5+$0x2400];
	[tilespmem:s0+$0x400] =	vst v1;
	s0 =	smov.u32 s5  }
0xd6: {  	v1 =	vld [tilespmem:s0+$0x400];
	_ =	sdelay $0x4  }
0xd7: {  	v0 =	vmul.f32 v0, v1;
	_ =	sdelay $0x1  }
0xd8: {  	s29 =	rddreg [dreg:$0xe];
	s1 =	simm.s32 $0x400;
	s5 =	simm.s32 $0x3;
	[tilespmem:s0+$0x400] =	vst v0  }
0xd9: {  	[hbm4b:s29+s2] =	stream.linear.scatter [tilespmem:s1], [sflag:$0x3], $0x2000, $0x38;
	[tilespmem:$0x4400] =	vst v63  }
0xda: {  	_ =	swait.ge [sflag:s5], $0x2000  }
0xdb: {  	s30 =	rddreg [dreg:$0x10]  }
0xdc: {  	s31 =	rddreg [dreg:$0xf];
	s1 =	sadd.s32 $0x1, s30  }
0xdd: {  	p0 =	sne.s32 s1, s31  }
.Ltmp2:
0xde: {  	_ = 	snop;
	(pc) =	sbr.rel @p0 .LBB2_1-.Ltmp2, $3  }
0xdf: {  	_ =	sdelay $0x1  }
0xe0: {  	[sflag:s5] =	ssyncset.done $0x0  }
0xe1: {  	[sflag:s5] =	ssyncadd.s32 $0xFFFFE000  }
0xe2: {  	_ =	sfence.sel $0x180000  }
0xe3: {  	[bflag:$0x0] =	sbarrier.arrive $0xFFFF  }
0xe4: {  	_ =	strace $0x90000047  }
0xe5: {  	s0 =	stileid.u32;
	[bflag:$0x2] =	sbarrier.arrive $0xFFFF  }
0xe6: {  	p0 =	sne.s32 s0, $0x0;
	s0 =	rddreg [dreg:$0x2]  }
0xe7: {  	s0 =	sadd.s32 @!p0 $0x100000, s0  }
0xe8: {  	[sflag:s0] =	ssyncadd.tile.s32 @!p0 $0x1;
	_ =	shalt  }
.Lfunc_end2:
_tile_overlayer_lowered:
.L_overlay_start_2:
0xe9: {  	(tag) =	ssettag $0x2  }
0xea: {  	s0 =	rddreg [dreg:$0x0];
	s2 =	stileid.u32  }
0xeb: {  	s1 =	rddreg [dreg:$0x1];
	p0 =	sne.s32 s2, $0x0  }
0xec: {  	s3 =	rddreg [dreg:$0x2];
	[bflag:$0x3] =	sbarrier.arrive $0xFFFF;
	s2 =	simm.s32 @!p0 $0x1C03  }
0xed: {  	[timem:s3], [sflag:s2] =	dma.local @!p0 [hbm:s0], s1  }
0xee: {  	s0 =	simm.s32 @!p0 $0x3  }
0xef: {  	_ =	swait.ge @!p0 [sflag:s0], s1  }
0xf0: {  	s1 =	ssub.s32 @!p0 $0x0, s1;
	[sflag:s0] =	ssyncset.done @!p0 $0x0  }
0xf1: {  	[sflag:s0] =	ssyncadd.s32 @!p0 s1  }
0xf2: {  	[bflag:$0x3] =	sbarrier.arrive $0xFFFF  }
0xf3: {  	_ =	shalt  }

</sc_bundles>
